<compile_context>
chip_gen: v7x
topology: tpu7x:2x2x1
jax: 0.10.2.dev20260603
libtpu: 0.0.44.dev20260713+nightly
codegen_flags: <defaults>
</compile_context>

<pallas_src>
import jax
import jax.numpy as jnp
from jax import lax
from jax.experimental import pallas as pl
from jax.experimental.pallas import tpu as pltpu
from jax.experimental.pallas import tpu_sc as plsc

_NC = 2
_NS = 16


def _make_sc_kernel(B, C, HW):
  n_tile = HW // _NS
  b_per_core = B // _NC
  mesh = plsc.VectorSubcoreMesh(core_axis_name="c", subcore_axis_name="s")

  def body(x_hbm, perm_hbm, out_hbm, idx_v, out_v, img0, img1, sem0, sem1,
           gsem0, gsem1, wsem):
    cid = lax.axis_index("c")
    sid = lax.axis_index("s")
    base = sid * n_tile

    def stage_copy(ch, bi, img, sem):
      b = cid * b_per_core + bi
      off = b * (C * HW) + ch * HW + base
      return pltpu.make_async_copy(
          x_hbm.at[pl.ds(off, n_tile)],
          img.at[pl.ds(base, n_tile)], sem)

    half = n_tile // 2

    def gather_write(ch, bi, img):
      b = cid * b_per_core + bi
      off = b * (C * HW) + ch * HW + base
      g0 = pltpu.make_async_copy(
          img.at[idx_v.at[pl.ds(0, half)]], out_v.at[pl.ds(0, half)], gsem0)
      g1 = pltpu.make_async_copy(
          img.at[idx_v.at[pl.ds(half, half)]], out_v.at[pl.ds(half, half)],
          gsem1)
      g0.start()
      g1.start()
      g0.wait()
      w0 = pltpu.make_async_copy(
          out_v.at[pl.ds(0, half)], out_hbm.at[pl.ds(off, half)], wsem)
      w0.start()
      g1.wait()
      w1 = pltpu.make_async_copy(
          out_v.at[pl.ds(half, half)], out_hbm.at[pl.ds(off + half, half)],
          wsem)
      w1.start()
      w0.wait()
      w1.wait()

    for ch in range(C):
      pltpu.sync_copy(perm_hbm.at[pl.ds(ch * HW + base, n_tile)], idx_v)
      stage_copy(ch, 0, img0, sem0).start()
      stage_copy(ch, 1, img1, sem1).start()

      def batch_step(i, carry):
        bi = 2 * i
        stage_copy(ch, bi, img0, sem0).wait()
        plsc.subcore_barrier()
        gather_write(ch, bi, img0)
        plsc.subcore_barrier()

        @pl.when(bi + 2 < b_per_core)
        def _():
          stage_copy(ch, bi + 2, img0, sem0).start()

        stage_copy(ch, bi + 1, img1, sem1).wait()
        plsc.subcore_barrier()
        gather_write(ch, bi + 1, img1)
        plsc.subcore_barrier()

        @pl.when(bi + 3 < b_per_core)
        def _():
          stage_copy(ch, bi + 3, img1, sem1).start()

        return carry

      lax.fori_loop(0, b_per_core // 2, batch_step, 0)

  return pl.kernel(
      body,
      out_type=jax.ShapeDtypeStruct((B * C * HW,), jnp.float32),
      mesh=mesh,
      scratch_types=[
          pltpu.VMEM((n_tile,), jnp.int32),
          pltpu.VMEM((n_tile,), jnp.float32),
          pltpu.VMEM_SHARED((HW,), jnp.float32),
          pltpu.VMEM_SHARED((HW,), jnp.float32),
          pltpu.SemaphoreType.DMA,
          pltpu.SemaphoreType.DMA,
          pltpu.SemaphoreType.DMA,
          pltpu.SemaphoreType.DMA,
          pltpu.SemaphoreType.DMA,
      ],
  )


def kernel(x, perms):
  B, C, H, W = x.shape
  HW = H * W
  x_flat = x.reshape(B * C * HW)
  perms_i32 = perms.astype(jnp.int32).reshape(C * HW)
  out = _make_sc_kernel(B, C, HW)(x_flat, perms_i32)
  return out.reshape(B, C, H, W)

# --- scband reference (transcript-rebuilt; emitter-appended) ---
"""Pipeline reference for scband-image-permutation-transform-3109556323019 (READ-ONLY COPY).

The authoritative reference and input builder live on the scoring server;
editing this copy changes nothing except your own understanding.
"""

import jax, jax.numpy as jnp
import numpy as np

B, C, H, W = 64, 3, 512, 512

def setup_inputs(seed: int = 0) -> dict:
    key = jax.random.key(seed)
    kx, kp = jax.random.split(key)
    x = jax.random.normal(kx, (B, C, H, W), dtype=jnp.float32)
    # fixed per-channel permutations of the H*W pixel positions (module buffers)
    perms = jnp.stack([jax.random.permutation(jax.random.fold_in(kp, c), H * W) for c in range(C)]).astype(jnp.int64)
    return {"x": x, "perms": perms}

def reference(x, perms):
    Bx, Cx, Hx, Wx = x.shape
    x_flat = x.reshape(Bx, Cx, Hx * Wx)
    # per-channel gather: out[:, c, i] = x_flat[:, c, perms[c, i]]
    out = jnp.stack([jnp.take(x_flat[:, c], perms[c], axis=1) for c in range(Cx)], axis=1)
    return out.reshape(Bx, Cx, Hx, Wx)

if __name__ == "__main__":
    import jax
    _d = setup_inputs()
    print(jax.jit(kernel)(*tuple(_d.values())))

</pallas_src>

<mosaic_0001>
#map = affine_map<(d0, d1) -> (0)>
module attributes {stable_mosaic.version = 14 : i64} {
  func.func @body(%arg0: i32, %arg1: i32, %arg2: memref<50331648xf32, #tpu.memory_space<hbm>>, %arg3: memref<786432xi32, #tpu.memory_space<hbm>>, %arg4: memref<50331648xf32, #tpu.memory_space<hbm>>, %arg5: memref<16384xi32, #tpu.memory_space<vmem>>, %arg6: memref<16384xf32, #tpu.memory_space<vmem>>, %arg7: memref<262144xf32, #tpu.memory_space<vmem_shared>>, %arg8: memref<262144xf32, #tpu.memory_space<vmem_shared>>, %arg9: memref<!tpu.dma_semaphore, #tpu.memory_space<semaphore_mem>>, %arg10: memref<!tpu.dma_semaphore, #tpu.memory_space<semaphore_mem>>, %arg11: memref<!tpu.dma_semaphore, #tpu.memory_space<semaphore_mem>>, %arg12: memref<!tpu.dma_semaphore, #tpu.memory_space<semaphore_mem>>, %arg13: memref<!tpu.dma_semaphore, #tpu.memory_space<semaphore_mem>>) attributes {dimension_semantics = [#tpu.dimension_semantics<core_parallel>, #tpu.dimension_semantics<subcore_parallel>], iteration_bounds = array<i64: 2, 16>, scalar_prefetch = 0 : i64, scratch_operands = 9 : i64, tpu.core_type = #tpu.core_type<sc_vector_subcore>, window_params = [{transform_indices = #map}, {transform_indices = #map}, {transform_indices = #map}]} {
    %mul3A = arith.constant 16384 : i32
    %mul3A_0 = arith.muli %arg1, %mul3A : i32
    %add3A = arith.constant 0 : i32
    %add3A_1 = arith.addi %add3A, %mul3A_0 : i32
    "tpu.region"() ({
      %run_scoped3A = tpu.sem_alloc : memref<!tpu.dma_semaphore, #tpu.memory_space<semaphore_mem>>
      %dma_start3A_88 = tpu.memref_slice %arg3[%add3A_1] : memref<786432xi32, #tpu.memory_space<hbm>> -> memref<16384xi32, #tpu.memory_space<hbm>>
      %dma_start3A_89 = tpu.memref_slice %arg3[%add3A_1] : memref<786432xi32, #tpu.memory_space<hbm>> -> memref<16384xi32, #tpu.memory_space<hbm>>
      tpu.enqueue_dma source(%dma_start3A_89 : memref<16384xi32, #tpu.memory_space<hbm>>) target(%arg5 : memref<16384xi32, #tpu.memory_space<vmem>>) target_semaphore(%run_scoped3A : memref<!tpu.dma_semaphore, #tpu.memory_space<semaphore_mem>>)
      %dma_wait3A = tpu.memref_slice %arg3[%add3A_1] : memref<786432xi32, #tpu.memory_space<hbm>> -> memref<16384xi32, #tpu.memory_space<hbm>>
      %dma_wait3A_90 = tpu.memref_slice %arg3[%add3A_1] : memref<786432xi32, #tpu.memory_space<hbm>> -> memref<16384xi32, #tpu.memory_space<hbm>>
      tpu.wait_dma2 semaphore(%run_scoped3A : memref<!tpu.dma_semaphore, #tpu.memory_space<semaphore_mem>>) src(%dma_wait3A_90 : memref<16384xi32, #tpu.memory_space<hbm>>) dst(%arg5 : memref<16384xi32, #tpu.memory_space<vmem>>)
      tpu.yield
    }) : () -> ()
    %mul3A_2 = arith.constant 32 : i32
    %mul3A_3 = arith.muli %arg0, %mul3A_2 : i32
    %add3A_4 = arith.constant 0 : i32
    %add3A_5 = arith.addi %mul3A_3, %add3A_4 : i32
    %mul3A_6 = arith.constant 786432 : i32
    %mul3A_7 = arith.muli %add3A_5, %mul3A_6 : i32
    %add3A_8 = arith.constant 0 : i32
    %add3A_9 = arith.addi %mul3A_7, %add3A_8 : i32
    %add3A_10 = arith.addi %add3A_9, %mul3A_0 : i32
    %dma_start3A = tpu.memref_slice %arg7[%mul3A_0] : memref<262144xf32, #tpu.memory_space<vmem_shared>> -> memref<16384xf32, #tpu.memory_space<vmem_shared>>
    %dma_start3A_11 = tpu.memref_slice %arg2[%add3A_10] : memref<50331648xf32, #tpu.memory_space<hbm>> -> memref<16384xf32, #tpu.memory_space<hbm>>
    tpu.enqueue_dma source(%dma_start3A_11 : memref<16384xf32, #tpu.memory_space<hbm>>) target(%dma_start3A : memref<16384xf32, #tpu.memory_space<vmem_shared>>) target_semaphore(%arg9 : memref<!tpu.dma_semaphore, #tpu.memory_space<semaphore_mem>>)
    %mul3A_12 = arith.constant 32 : i32
    %mul3A_13 = arith.muli %arg0, %mul3A_12 : i32
    %add3A_14 = arith.constant 1 : i32
    %add3A_15 = arith.addi %mul3A_13, %add3A_14 : i32
    %mul3A_16 = arith.constant 786432 : i32
    %mul3A_17 = arith.muli %add3A_15, %mul3A_16 : i32
    %add3A_18 = arith.constant 0 : i32
    %add3A_19 = arith.addi %mul3A_17, %add3A_18 : i32
    %add3A_20 = arith.addi %add3A_19, %mul3A_0 : i32
    %dma_start3A_21 = tpu.memref_slice %arg8[%mul3A_0] : memref<262144xf32, #tpu.memory_space<vmem_shared>> -> memref<16384xf32, #tpu.memory_space<vmem_shared>>
    %dma_start3A_22 = tpu.memref_slice %arg2[%add3A_20] : memref<50331648xf32, #tpu.memory_space<hbm>> -> memref<16384xf32, #tpu.memory_space<hbm>>
    tpu.enqueue_dma source(%dma_start3A_22 : memref<16384xf32, #tpu.memory_space<hbm>>) target(%dma_start3A_21 : memref<16384xf32, #tpu.memory_space<vmem_shared>>) target_semaphore(%arg10 : memref<!tpu.dma_semaphore, #tpu.memory_space<semaphore_mem>>)
    %scan3A = arith.constant 0 : i32
    %scan3A_23 = arith.constant 0 : i32
    %scan3A_24 = arith.constant 16 : i32
    %scan3A_25 = arith.addi %scan3A_23, %scan3A_24 : i32
    %scan3A_26 = arith.constant 1 : i32
    scf.for %scan3A_88 = %scan3A_23 to %scan3A_25 step %scan3A_26  : i32 {
      %mul3A_89 = arith.constant 2 : i32
      %mul3A_90 = arith.muli %mul3A_89, %scan3A_88 : i32
      %mul3A_91 = arith.constant 32 : i32
      %mul3A_92 = arith.muli %arg0, %mul3A_91 : i32
      %add3A_93 = arith.addi %mul3A_92, %mul3A_90 : i32
      %mul3A_94 = arith.constant 786432 : i32
      %mul3A_95 = arith.muli %add3A_93, %mul3A_94 : i32
      %add3A_96 = arith.constant 0 : i32
      %add3A_97 = arith.addi %mul3A_95, %add3A_96 : i32
      %add3A_98 = arith.addi %add3A_97, %mul3A_0 : i32
      %dma_wait3A = tpu.memref_slice %arg7[%mul3A_0] : memref<262144xf32, #tpu.memory_space<vmem_shared>> -> memref<16384xf32, #tpu.memory_space<vmem_shared>>
      %dma_wait3A_99 = tpu.memref_slice %arg2[%add3A_98] : memref<50331648xf32, #tpu.memory_space<hbm>> -> memref<16384xf32, #tpu.memory_space<hbm>>
      tpu.wait_dma2 semaphore(%arg9 : memref<!tpu.dma_semaphore, #tpu.memory_space<semaphore_mem>>) src(%dma_wait3A_99 : memref<16384xf32, #tpu.memory_space<hbm>>) dst(%dma_wait3A : memref<16384xf32, #tpu.memory_space<vmem_shared>>)
      %barrier3A = arith.constant 0 : index
      tpu.barrier barrier_id(%barrier3A)
      %mul3A_100 = arith.constant 32 : i32
      %mul3A_101 = arith.muli %arg0, %mul3A_100 : i32
      %add3A_102 = arith.addi %mul3A_101, %mul3A_90 : i32
      %mul3A_103 = arith.constant 786432 : i32
      %mul3A_104 = arith.muli %add3A_102, %mul3A_103 : i32
      %add3A_105 = arith.constant 0 : i32
      %add3A_106 = arith.addi %mul3A_104, %add3A_105 : i32
      %add3A_107 = arith.addi %add3A_106, %mul3A_0 : i32
      %dma_start3A_108 = arith.constant 0 : i32
      %dma_start3A_109 = tpu.memref_slice %arg6[%dma_start3A_108] : memref<16384xf32, #tpu.memory_space<vmem>> -> memref<8192xf32, #tpu.memory_space<vmem>>
      %dma_start3A_110 = arith.constant 0 : i32
      %dma_start3A_111 = tpu.memref_slice %arg5[%dma_start3A_110] : memref<16384xi32, #tpu.memory_space<vmem>> -> memref<8192xi32, #tpu.memory_space<vmem>>
      %dma_start3A_112 = arith.constant 0 : i32
      %dma_start3A_113 = tpu.memref_slice %arg7[%dma_start3A_112] : memref<262144xf32, #tpu.memory_space<vmem_shared>> -> memref<262144xf32, #tpu.memory_space<vmem_shared>>
      tpu.enqueue_indirect_dma source(%dma_start3A_113 : memref<262144xf32, #tpu.memory_space<vmem_shared>>) target(%dma_start3A_109 : memref<8192xf32, #tpu.memory_space<vmem>>) offsets(%dma_start3A_111 : memref<8192xi32, #tpu.memory_space<vmem>>) semaphore(%arg11 : memref<!tpu.dma_semaphore, #tpu.memory_space<semaphore_mem>>)
      %dma_start3A_114 = arith.constant 8192 : i32
      %dma_start3A_115 = tpu.memref_slice %arg6[%dma_start3A_114] : memref<16384xf32, #tpu.memory_space<vmem>> -> memref<8192xf32, #tpu.memory_space<vmem>>
      %dma_start3A_116 = arith.constant 8192 : i32
      %dma_start3A_117 = tpu.memref_slice %arg5[%dma_start3A_116] : memref<16384xi32, #tpu.memory_space<vmem>> -> memref<8192xi32, #tpu.memory_space<vmem>>
      %dma_start3A_118 = arith.constant 0 : i32
      %dma_start3A_119 = tpu.memref_slice %arg7[%dma_start3A_118] : memref<262144xf32, #tpu.memory_space<vmem_shared>> -> memref<262144xf32, #tpu.memory_space<vmem_shared>>
      tpu.enqueue_indirect_dma source(%dma_start3A_119 : memref<262144xf32, #tpu.memory_space<vmem_shared>>) target(%dma_start3A_115 : memref<8192xf32, #tpu.memory_space<vmem>>) offsets(%dma_start3A_117 : memref<8192xi32, #tpu.memory_space<vmem>>) semaphore(%arg12 : memref<!tpu.dma_semaphore, #tpu.memory_space<semaphore_mem>>)
      %dma_wait3A_120 = arith.constant 0 : i32
      %dma_wait3A_121 = tpu.memref_slice %arg6[%dma_wait3A_120] : memref<16384xf32, #tpu.memory_space<vmem>> -> memref<8192xf32, #tpu.memory_space<vmem>>
      %dma_wait3A_122 = arith.constant 0 : i32
      %dma_wait3A_123 = tpu.memref_slice %arg5[%dma_wait3A_122] : memref<16384xi32, #tpu.memory_space<vmem>> -> memref<8192xi32, #tpu.memory_space<vmem>>
      %dma_wait3A_124 = arith.constant 0 : i32
      %dma_wait3A_125 = tpu.memref_slice %arg7[%dma_wait3A_124] : memref<262144xf32, #tpu.memory_space<vmem_shared>> -> memref<262144xf32, #tpu.memory_space<vmem_shared>>
      tpu.wait_indirect_dma semaphore(%arg11 : memref<!tpu.dma_semaphore, #tpu.memory_space<semaphore_mem>>) src(%dma_wait3A_125 : memref<262144xf32, #tpu.memory_space<vmem_shared>>) dst(%dma_wait3A_121 : memref<8192xf32, #tpu.memory_space<vmem>>)
      %dma_start3A_126 = arith.constant 0 : i32
      %dma_start3A_127 = tpu.memref_slice %arg6[%dma_start3A_126] : memref<16384xf32, #tpu.memory_space<vmem>> -> memref<8192xf32, #tpu.memory_space<vmem>>
      %dma_start3A_128 = tpu.memref_slice %arg4[%add3A_107] : memref<50331648xf32, #tpu.memory_space<hbm>> -> memref<8192xf32, #tpu.memory_space<hbm>>
      %dma_start3A_129 = tpu.memref_slice %arg4[%add3A_107] : memref<50331648xf32, #tpu.memory_space<hbm>> -> memref<8192xf32, #tpu.memory_space<hbm>>
      %dma_start3A_130 = arith.constant 0 : i32
      %dma_start3A_131 = tpu.memref_slice %arg6[%dma_start3A_130] : memref<16384xf32, #tpu.memory_space<vmem>> -> memref<8192xf32, #tpu.memory_space<vmem>>
      tpu.enqueue_dma source(%dma_start3A_131 : memref<8192xf32, #tpu.memory_space<vmem>>) target(%dma_start3A_129 : memref<8192xf32, #tpu.memory_space<hbm>>) target_semaphore(%arg13 : memref<!tpu.dma_semaphore, #tpu.memory_space<semaphore_mem>>)
      %dma_wait3A_132 = arith.constant 8192 : i32
      %dma_wait3A_133 = tpu.memref_slice %arg6[%dma_wait3A_132] : memref<16384xf32, #tpu.memory_space<vmem>> -> memref<8192xf32, #tpu.memory_space<vmem>>
      %dma_wait3A_134 = arith.constant 8192 : i32
      %dma_wait3A_135 = tpu.memref_slice %arg5[%dma_wait3A_134] : memref<16384xi32, #tpu.memory_space<vmem>> -> memref<8192xi32, #tpu.memory_space<vmem>>
      %dma_wait3A_136 = arith.constant 0 : i32
      %dma_wait3A_137 = tpu.memref_slice %arg7[%dma_wait3A_136] : memref<262144xf32, #tpu.memory_space<vmem_shared>> -> memref<262144xf32, #tpu.memory_space<vmem_shared>>
      tpu.wait_indirect_dma semaphore(%arg12 : memref<!tpu.dma_semaphore, #tpu.memory_space<semaphore_mem>>) src(%dma_wait3A_137 : memref<262144xf32, #tpu.memory_space<vmem_shared>>) dst(%dma_wait3A_133 : memref<8192xf32, #tpu.memory_space<vmem>>)
      %add3A_138 = arith.constant 8192 : i32
      %add3A_139 = arith.addi %add3A_107, %add3A_138 : i32
      %dma_start3A_140 = arith.constant 8192 : i32
      %dma_start3A_141 = tpu.memref_slice %arg6[%dma_start3A_140] : memref<16384xf32, #tpu.memory_space<vmem>> -> memref<8192xf32, #tpu.memory_space<vmem>>
      %dma_start3A_142 = tpu.memref_slice %arg4[%add3A_139] : memref<50331648xf32, #tpu.memory_space<hbm>> -> memref<8192xf32, #tpu.memory_space<hbm>>
      %dma_start3A_143 = tpu.memref_slice %arg4[%add3A_139] : memref<50331648xf32, #tpu.memory_space<hbm>> -> memref<8192xf32, #tpu.memory_space<hbm>>
      %dma_start3A_144 = arith.constant 8192 : i32
      %dma_start3A_145 = tpu.memref_slice %arg6[%dma_start3A_144] : memref<16384xf32, #tpu.memory_space<vmem>> -> memref<8192xf32, #tpu.memory_space<vmem>>
      tpu.enqueue_dma source(%dma_start3A_145 : memref<8192xf32, #tpu.memory_space<vmem>>) target(%dma_start3A_143 : memref<8192xf32, #tpu.memory_space<hbm>>) target_semaphore(%arg13 : memref<!tpu.dma_semaphore, #tpu.memory_space<semaphore_mem>>)
      %dma_wait3A_146 = arith.constant 0 : i32
      %dma_wait3A_147 = tpu.memref_slice %arg6[%dma_wait3A_146] : memref<16384xf32, #tpu.memory_space<vmem>> -> memref<8192xf32, #tpu.memory_space<vmem>>
      %dma_wait3A_148 = tpu.memref_slice %arg4[%add3A_107] : memref<50331648xf32, #tpu.memory_space<hbm>> -> memref<8192xf32, #tpu.memory_space<hbm>>
      %dma_wait3A_149 = tpu.memref_slice %arg4[%add3A_107] : memref<50331648xf32, #tpu.memory_space<hbm>> -> memref<8192xf32, #tpu.memory_space<hbm>>
      %dma_wait3A_150 = arith.constant 0 : i32
      %dma_wait3A_151 = tpu.memref_slice %arg6[%dma_wait3A_150] : memref<16384xf32, #tpu.memory_space<vmem>> -> memref<8192xf32, #tpu.memory_space<vmem>>
      tpu.wait_dma2 semaphore(%arg13 : memref<!tpu.dma_semaphore, #tpu.memory_space<semaphore_mem>>) src(%dma_wait3A_151 : memref<8192xf32, #tpu.memory_space<vmem>>) dst(%dma_wait3A_149 : memref<8192xf32, #tpu.memory_space<hbm>>)
      %dma_wait3A_152 = arith.constant 8192 : i32
      %dma_wait3A_153 = tpu.memref_slice %arg6[%dma_wait3A_152] : memref<16384xf32, #tpu.memory_space<vmem>> -> memref<8192xf32, #tpu.memory_space<vmem>>
      %dma_wait3A_154 = tpu.memref_slice %arg4[%add3A_139] : memref<50331648xf32, #tpu.memory_space<hbm>> -> memref<8192xf32, #tpu.memory_space<hbm>>
      %dma_wait3A_155 = tpu.memref_slice %arg4[%add3A_139] : memref<50331648xf32, #tpu.memory_space<hbm>> -> memref<8192xf32, #tpu.memory_space<hbm>>
      %dma_wait3A_156 = arith.constant 8192 : i32
      %dma_wait3A_157 = tpu.memref_slice %arg6[%dma_wait3A_156] : memref<16384xf32, #tpu.memory_space<vmem>> -> memref<8192xf32, #tpu.memory_space<vmem>>
      tpu.wait_dma2 semaphore(%arg13 : memref<!tpu.dma_semaphore, #tpu.memory_space<semaphore_mem>>) src(%dma_wait3A_157 : memref<8192xf32, #tpu.memory_space<vmem>>) dst(%dma_wait3A_155 : memref<8192xf32, #tpu.memory_space<hbm>>)
      %barrier3A_158 = arith.constant 0 : index
      tpu.barrier barrier_id(%barrier3A_158)
      %add3A_159 = arith.constant 2 : i32
      %add3A_160 = arith.addi %mul3A_90, %add3A_159 : i32
      %lt3A = arith.constant 32 : i32
      %lt3A_161 = arith.cmpi slt, %add3A_160, %lt3A : i32
      %convert_element_type3A = arith.extui %lt3A_161 : i1 to i32
      %cond3A = arith.constant 0 : i32
      %cond3A_162 = arith.cmpi ne, %convert_element_type3A, %cond3A : i32
      scf.if %cond3A_162 {
        %add3A_244 = arith.constant 2 : i32
        %add3A_245 = arith.addi %mul3A_90, %add3A_244 : i32
        %mul3A_246 = arith.constant 32 : i32
        %mul3A_247 = arith.muli %arg0, %mul3A_246 : i32
        %add3A_248 = arith.addi %mul3A_247, %add3A_245 : i32
        %mul3A_249 = arith.constant 786432 : i32
        %mul3A_250 = arith.muli %add3A_248, %mul3A_249 : i32
        %add3A_251 = arith.constant 0 : i32
        %add3A_252 = arith.addi %mul3A_250, %add3A_251 : i32
        %add3A_253 = arith.addi %add3A_252, %mul3A_0 : i32
        %dma_start3A_254 = tpu.memref_slice %arg7[%mul3A_0] : memref<262144xf32, #tpu.memory_space<vmem_shared>> -> memref<16384xf32, #tpu.memory_space<vmem_shared>>
        %dma_start3A_255 = tpu.memref_slice %arg2[%add3A_253] : memref<50331648xf32, #tpu.memory_space<hbm>> -> memref<16384xf32, #tpu.memory_space<hbm>>
        tpu.enqueue_dma source(%dma_start3A_255 : memref<16384xf32, #tpu.memory_space<hbm>>) target(%dma_start3A_254 : memref<16384xf32, #tpu.memory_space<vmem_shared>>) target_semaphore(%arg9 : memref<!tpu.dma_semaphore, #tpu.memory_space<semaphore_mem>>)
      } else {
      }
      %add3A_163 = arith.constant 1 : i32
      %add3A_164 = arith.addi %mul3A_90, %add3A_163 : i32
      %mul3A_165 = arith.constant 32 : i32
      %mul3A_166 = arith.muli %arg0, %mul3A_165 : i32
      %add3A_167 = arith.addi %mul3A_166, %add3A_164 : i32
      %mul3A_168 = arith.constant 786432 : i32
      %mul3A_169 = arith.muli %add3A_167, %mul3A_168 : i32
      %add3A_170 = arith.constant 0 : i32
      %add3A_171 = arith.addi %mul3A_169, %add3A_170 : i32
      %add3A_172 = arith.addi %add3A_171, %mul3A_0 : i32
      %dma_wait3A_173 = tpu.memref_slice %arg8[%mul3A_0] : memref<262144xf32, #tpu.memory_space<vmem_shared>> -> memref<16384xf32, #tpu.memory_space<vmem_shared>>
      %dma_wait3A_174 = tpu.memref_slice %arg2[%add3A_172] : memref<50331648xf32, #tpu.memory_space<hbm>> -> memref<16384xf32, #tpu.memory_space<hbm>>
      tpu.wait_dma2 semaphore(%arg10 : memref<!tpu.dma_semaphore, #tpu.memory_space<semaphore_mem>>) src(%dma_wait3A_174 : memref<16384xf32, #tpu.memory_space<hbm>>) dst(%dma_wait3A_173 : memref<16384xf32, #tpu.memory_space<vmem_shared>>)
      %barrier3A_175 = arith.constant 0 : index
      tpu.barrier barrier_id(%barrier3A_175)
      %add3A_176 = arith.constant 1 : i32
      %add3A_177 = arith.addi %mul3A_90, %add3A_176 : i32
      %mul3A_178 = arith.constant 32 : i32
      %mul3A_179 = arith.muli %arg0, %mul3A_178 : i32
      %add3A_180 = arith.addi %mul3A_179, %add3A_177 : i32
      %mul3A_181 = arith.constant 786432 : i32
      %mul3A_182 = arith.muli %add3A_180, %mul3A_181 : i32
      %add3A_183 = arith.constant 0 : i32
      %add3A_184 = arith.addi %mul3A_182, %add3A_183 : i32
      %add3A_185 = arith.addi %add3A_184, %mul3A_0 : i32
      %dma_start3A_186 = arith.constant 0 : i32
      %dma_start3A_187 = tpu.memref_slice %arg6[%dma_start3A_186] : memref<16384xf32, #tpu.memory_space<vmem>> -> memref<8192xf32, #tpu.memory_space<vmem>>
      %dma_start3A_188 = arith.constant 0 : i32
      %dma_start3A_189 = tpu.memref_slice %arg5[%dma_start3A_188] : memref<16384xi32, #tpu.memory_space<vmem>> -> memref<8192xi32, #tpu.memory_space<vmem>>
      %dma_start3A_190 = arith.constant 0 : i32
      %dma_start3A_191 = tpu.memref_slice %arg8[%dma_start3A_190] : memref<262144xf32, #tpu.memory_space<vmem_shared>> -> memref<262144xf32, #tpu.memory_space<vmem_shared>>
      tpu.enqueue_indirect_dma source(%dma_start3A_191 : memref<262144xf32, #tpu.memory_space<vmem_shared>>) target(%dma_start3A_187 : memref<8192xf32, #tpu.memory_space<vmem>>) offsets(%dma_start3A_189 : memref<8192xi32, #tpu.memory_space<vmem>>) semaphore(%arg11 : memref<!tpu.dma_semaphore, #tpu.memory_space<semaphore_mem>>)
      %dma_start3A_192 = arith.constant 8192 : i32
      %dma_start3A_193 = tpu.memref_slice %arg6[%dma_start3A_192] : memref<16384xf32, #tpu.memory_space<vmem>> -> memref<8192xf32, #tpu.memory_space<vmem>>
      %dma_start3A_194 = arith.constant 8192 : i32
      %dma_start3A_195 = tpu.memref_slice %arg5[%dma_start3A_194] : memref<16384xi32, #tpu.memory_space<vmem>> -> memref<8192xi32, #tpu.memory_space<vmem>>
      %dma_start3A_196 = arith.constant 0 : i32
      %dma_start3A_197 = tpu.memref_slice %arg8[%dma_start3A_196] : memref<262144xf32, #tpu.memory_space<vmem_shared>> -> memref<262144xf32, #tpu.memory_space<vmem_shared>>
      tpu.enqueue_indirect_dma source(%dma_start3A_197 : memref<262144xf32, #tpu.memory_space<vmem_shared>>) target(%dma_start3A_193 : memref<8192xf32, #tpu.memory_space<vmem>>) offsets(%dma_start3A_195 : memref<8192xi32, #tpu.memory_space<vmem>>) semaphore(%arg12 : memref<!tpu.dma_semaphore, #tpu.memory_space<semaphore_mem>>)
      %dma_wait3A_198 = arith.constant 0 : i32
      %dma_wait3A_199 = tpu.memref_slice %arg6[%dma_wait3A_198] : memref<16384xf32, #tpu.memory_space<vmem>> -> memref<8192xf32, #tpu.memory_space<vmem>>
      %dma_wait3A_200 = arith.constant 0 : i32
      %dma_wait3A_201 = tpu.memref_slice %arg5[%dma_wait3A_200] : memref<16384xi32, #tpu.memory_space<vmem>> -> memref<8192xi32, #tpu.memory_space<vmem>>
      %dma_wait3A_202 = arith.constant 0 : i32
      %dma_wait3A_203 = tpu.memref_slice %arg8[%dma_wait3A_202] : memref<262144xf32, #tpu.memory_space<vmem_shared>> -> memref<262144xf32, #tpu.memory_space<vmem_shared>>
      tpu.wait_indirect_dma semaphore(%arg11 : memref<!tpu.dma_semaphore, #tpu.memory_space<semaphore_mem>>) src(%dma_wait3A_203 : memref<262144xf32, #tpu.memory_space<vmem_shared>>) dst(%dma_wait3A_199 : memref<8192xf32, #tpu.memory_space<vmem>>)
      %dma_start3A_204 = arith.constant 0 : i32
      %dma_start3A_205 = tpu.memref_slice %arg6[%dma_start3A_204] : memref<16384xf32, #tpu.memory_space<vmem>> -> memref<8192xf32, #tpu.memory_space<vmem>>
      %dma_start3A_206 = tpu.memref_slice %arg4[%add3A_185] : memref<50331648xf32, #tpu.memory_space<hbm>> -> memref<8192xf32, #tpu.memory_space<hbm>>
      %dma_start3A_207 = tpu.memref_slice %arg4[%add3A_185] : memref<50331648xf32, #tpu.memory_space<hbm>> -> memref<8192xf32, #tpu.memory_space<hbm>>
      %dma_start3A_208 = arith.constant 0 : i32
      %dma_start3A_209 = tpu.memref_slice %arg6[%dma_start3A_208] : memref<16384xf32, #tpu.memory_space<vmem>> -> memref<8192xf32, #tpu.memory_space<vmem>>
      tpu.enqueue_dma source(%dma_start3A_209 : memref<8192xf32, #tpu.memory_space<vmem>>) target(%dma_start3A_207 : memref<8192xf32, #tpu.memory_space<hbm>>) target_semaphore(%arg13 : memref<!tpu.dma_semaphore, #tpu.memory_space<semaphore_mem>>)
      %dma_wait3A_210 = arith.constant 8192 : i32
      %dma_wait3A_211 = tpu.memref_slice %arg6[%dma_wait3A_210] : memref<16384xf32, #tpu.memory_space<vmem>> -> memref<8192xf32, #tpu.memory_space<vmem>>
      %dma_wait3A_212 = arith.constant 8192 : i32
      %dma_wait3A_213 = tpu.memref_slice %arg5[%dma_wait3A_212] : memref<16384xi32, #tpu.memory_space<vmem>> -> memref<8192xi32, #tpu.memory_space<vmem>>
      %dma_wait3A_214 = arith.constant 0 : i32
      %dma_wait3A_215 = tpu.memref_slice %arg8[%dma_wait3A_214] : memref<262144xf32, #tpu.memory_space<vmem_shared>> -> memref<262144xf32, #tpu.memory_space<vmem_shared>>
      tpu.wait_indirect_dma semaphore(%arg12 : memref<!tpu.dma_semaphore, #tpu.memory_space<semaphore_mem>>) src(%dma_wait3A_215 : memref<262144xf32, #tpu.memory_space<vmem_shared>>) dst(%dma_wait3A_211 : memref<8192xf32, #tpu.memory_space<vmem>>)
      %add3A_216 = arith.constant 8192 : i32
      %add3A_217 = arith.addi %add3A_185, %add3A_216 : i32
      %dma_start3A_218 = arith.constant 8192 : i32
      %dma_start3A_219 = tpu.memref_slice %arg6[%dma_start3A_218] : memref<16384xf32, #tpu.memory_space<vmem>> -> memref<8192xf32, #tpu.memory_space<vmem>>
      %dma_start3A_220 = tpu.memref_slice %arg4[%add3A_217] : memref<50331648xf32, #tpu.memory_space<hbm>> -> memref<8192xf32, #tpu.memory_space<hbm>>
      %dma_start3A_221 = tpu.memref_slice %arg4[%add3A_217] : memref<50331648xf32, #tpu.memory_space<hbm>> -> memref<8192xf32, #tpu.memory_space<hbm>>
      %dma_start3A_222 = arith.constant 8192 : i32
      %dma_start3A_223 = tpu.memref_slice %arg6[%dma_start3A_222] : memref<16384xf32, #tpu.memory_space<vmem>> -> memref<8192xf32, #tpu.memory_space<vmem>>
      tpu.enqueue_dma source(%dma_start3A_223 : memref<8192xf32, #tpu.memory_space<vmem>>) target(%dma_start3A_221 : memref<8192xf32, #tpu.memory_space<hbm>>) target_semaphore(%arg13 : memref<!tpu.dma_semaphore, #tpu.memory_space<semaphore_mem>>)
      %dma_wait3A_224 = arith.constant 0 : i32
      %dma_wait3A_225 = tpu.memref_slice %arg6[%dma_wait3A_224] : memref<16384xf32, #tpu.memory_space<vmem>> -> memref<8192xf32, #tpu.memory_space<vmem>>
      %dma_wait3A_226 = tpu.memref_slice %arg4[%add3A_185] : memref<50331648xf32, #tpu.memory_space<hbm>> -> memref<8192xf32, #tpu.memory_space<hbm>>
      %dma_wait3A_227 = tpu.memref_slice %arg4[%add3A_185] : memref<50331648xf32, #tpu.memory_space<hbm>> -> memref<8192xf32, #tpu.memory_space<hbm>>
      %dma_wait3A_228 = arith.constant 0 : i32
      %dma_wait3A_229 = tpu.memref_slice %arg6[%dma_wait3A_228] : memref<16384xf32, #tpu.memory_space<vmem>> -> memref<8192xf32, #tpu.memory_space<vmem>>
      tpu.wait_dma2 semaphore(%arg13 : memref<!tpu.dma_semaphore, #tpu.memory_space<semaphore_mem>>) src(%dma_wait3A_229 : memref<8192xf32, #tpu.memory_space<vmem>>) dst(%dma_wait3A_227 : memref<8192xf32, #tpu.memory_space<hbm>>)
      %dma_wait3A_230 = arith.constant 8192 : i32
      %dma_wait3A_231 = tpu.memref_slice %arg6[%dma_wait3A_230] : memref<16384xf32, #tpu.memory_space<vmem>> -> memref<8192xf32, #tpu.memory_space<vmem>>
      %dma_wait3A_232 = tpu.memref_slice %arg4[%add3A_217] : memref<50331648xf32, #tpu.memory_space<hbm>> -> memref<8192xf32, #tpu.memory_space<hbm>>
      %dma_wait3A_233 = tpu.memref_slice %arg4[%add3A_217] : memref<50331648xf32, #tpu.memory_space<hbm>> -> memref<8192xf32, #tpu.memory_space<hbm>>
      %dma_wait3A_234 = arith.constant 8192 : i32
      %dma_wait3A_235 = tpu.memref_slice %arg6[%dma_wait3A_234] : memref<16384xf32, #tpu.memory_space<vmem>> -> memref<8192xf32, #tpu.memory_space<vmem>>
      tpu.wait_dma2 semaphore(%arg13 : memref<!tpu.dma_semaphore, #tpu.memory_space<semaphore_mem>>) src(%dma_wait3A_235 : memref<8192xf32, #tpu.memory_space<vmem>>) dst(%dma_wait3A_233 : memref<8192xf32, #tpu.memory_space<hbm>>)
      %barrier3A_236 = arith.constant 0 : index
      tpu.barrier barrier_id(%barrier3A_236)
      %add3A_237 = arith.constant 3 : i32
      %add3A_238 = arith.addi %mul3A_90, %add3A_237 : i32
      %lt3A_239 = arith.constant 32 : i32
      %lt3A_240 = arith.cmpi slt, %add3A_238, %lt3A_239 : i32
      %convert_element_type3A_241 = arith.extui %lt3A_240 : i1 to i32
      %cond3A_242 = arith.constant 0 : i32
      %cond3A_243 = arith.cmpi ne, %convert_element_type3A_241, %cond3A_242 : i32
      scf.if %cond3A_243 {
        %add3A_244 = arith.constant 3 : i32
        %add3A_245 = arith.addi %mul3A_90, %add3A_244 : i32
        %mul3A_246 = arith.constant 32 : i32
        %mul3A_247 = arith.muli %arg0, %mul3A_246 : i32
        %add3A_248 = arith.addi %mul3A_247, %add3A_245 : i32
        %mul3A_249 = arith.constant 786432 : i32
        %mul3A_250 = arith.muli %add3A_248, %mul3A_249 : i32
        %add3A_251 = arith.constant 0 : i32
        %add3A_252 = arith.addi %mul3A_250, %add3A_251 : i32
        %add3A_253 = arith.addi %add3A_252, %mul3A_0 : i32
        %dma_start3A_254 = tpu.memref_slice %arg8[%mul3A_0] : memref<262144xf32, #tpu.memory_space<vmem_shared>> -> memref<16384xf32, #tpu.memory_space<vmem_shared>>
        %dma_start3A_255 = tpu.memref_slice %arg2[%add3A_253] : memref<50331648xf32, #tpu.memory_space<hbm>> -> memref<16384xf32, #tpu.memory_space<hbm>>
        tpu.enqueue_dma source(%dma_start3A_255 : memref<16384xf32, #tpu.memory_space<hbm>>) target(%dma_start3A_254 : memref<16384xf32, #tpu.memory_space<vmem_shared>>) target_semaphore(%arg10 : memref<!tpu.dma_semaphore, #tpu.memory_space<semaphore_mem>>)
      } else {
      }
    }
    %scan3A_27 = arith.constant 16 : i32
    %add3A_28 = arith.constant 262144 : i32
    %add3A_29 = arith.addi %add3A_28, %mul3A_0 : i32
    "tpu.region"() ({
      %run_scoped3A = tpu.sem_alloc : memref<!tpu.dma_semaphore, #tpu.memory_space<semaphore_mem>>
      %dma_start3A_88 = tpu.memref_slice %arg3[%add3A_29] : memref<786432xi32, #tpu.memory_space<hbm>> -> memref<16384xi32, #tpu.memory_space<hbm>>
      %dma_start3A_89 = tpu.memref_slice %arg3[%add3A_29] : memref<786432xi32, #tpu.memory_space<hbm>> -> memref<16384xi32, #tpu.memory_space<hbm>>
      tpu.enqueue_dma source(%dma_start3A_89 : memref<16384xi32, #tpu.memory_space<hbm>>) target(%arg5 : memref<16384xi32, #tpu.memory_space<vmem>>) target_semaphore(%run_scoped3A : memref<!tpu.dma_semaphore, #tpu.memory_space<semaphore_mem>>)
      %dma_wait3A = tpu.memref_slice %arg3[%add3A_29] : memref<786432xi32, #tpu.memory_space<hbm>> -> memref<16384xi32, #tpu.memory_space<hbm>>
      %dma_wait3A_90 = tpu.memref_slice %arg3[%add3A_29] : memref<786432xi32, #tpu.memory_space<hbm>> -> memref<16384xi32, #tpu.memory_space<hbm>>
      tpu.wait_dma2 semaphore(%run_scoped3A : memref<!tpu.dma_semaphore, #tpu.memory_space<semaphore_mem>>) src(%dma_wait3A_90 : memref<16384xi32, #tpu.memory_space<hbm>>) dst(%arg5 : memref<16384xi32, #tpu.memory_space<vmem>>)
      tpu.yield
    }) : () -> ()
    %mul3A_30 = arith.constant 32 : i32
    %mul3A_31 = arith.muli %arg0, %mul3A_30 : i32
    %add3A_32 = arith.constant 0 : i32
    %add3A_33 = arith.addi %mul3A_31, %add3A_32 : i32
    %mul3A_34 = arith.constant 786432 : i32
    %mul3A_35 = arith.muli %add3A_33, %mul3A_34 : i32
    %add3A_36 = arith.constant 262144 : i32
    %add3A_37 = arith.addi %mul3A_35, %add3A_36 : i32
    %add3A_38 = arith.addi %add3A_37, %mul3A_0 : i32
    %dma_start3A_39 = tpu.memref_slice %arg7[%mul3A_0] : memref<262144xf32, #tpu.memory_space<vmem_shared>> -> memref<16384xf32, #tpu.memory_space<vmem_shared>>
    %dma_start3A_40 = tpu.memref_slice %arg2[%add3A_38] : memref<50331648xf32, #tpu.memory_space<hbm>> -> memref<16384xf32, #tpu.memory_space<hbm>>
    tpu.enqueue_dma source(%dma_start3A_40 : memref<16384xf32, #tpu.memory_space<hbm>>) target(%dma_start3A_39 : memref<16384xf32, #tpu.memory_space<vmem_shared>>) target_semaphore(%arg9 : memref<!tpu.dma_semaphore, #tpu.memory_space<semaphore_mem>>)
    %mul3A_41 = arith.constant 32 : i32
    %mul3A_42 = arith.muli %arg0, %mul3A_41 : i32
    %add3A_43 = arith.constant 1 : i32
    %add3A_44 = arith.addi %mul3A_42, %add3A_43 : i32
    %mul3A_45 = arith.constant 786432 : i32
    %mul3A_46 = arith.muli %add3A_44, %mul3A_45 : i32
    %add3A_47 = arith.constant 262144 : i32
    %add3A_48 = arith.addi %mul3A_46, %add3A_47 : i32
    %add3A_49 = arith.addi %add3A_48, %mul3A_0 : i32
    %dma_start3A_50 = tpu.memref_slice %arg8[%mul3A_0] : memref<262144xf32, #tpu.memory_space<vmem_shared>> -> memref<16384xf32, #tpu.memory_space<vmem_shared>>
    %dma_start3A_51 = tpu.memref_slice %arg2[%add3A_49] : memref<50331648xf32, #tpu.memory_space<hbm>> -> memref<16384xf32, #tpu.memory_space<hbm>>
    tpu.enqueue_dma source(%dma_start3A_51 : memref<16384xf32, #tpu.memory_space<hbm>>) target(%dma_start3A_50 : memref<16384xf32, #tpu.memory_space<vmem_shared>>) target_semaphore(%arg10 : memref<!tpu.dma_semaphore, #tpu.memory_space<semaphore_mem>>)
    %scan3A_52 = arith.constant 0 : i32
    %scan3A_53 = arith.constant 0 : i32
    %scan3A_54 = arith.constant 16 : i32
    %scan3A_55 = arith.addi %scan3A_53, %scan3A_54 : i32
    %scan3A_56 = arith.constant 1 : i32
    scf.for %scan3A_88 = %scan3A_53 to %scan3A_55 step %scan3A_56  : i32 {
      %mul3A_89 = arith.constant 2 : i32
      %mul3A_90 = arith.muli %mul3A_89, %scan3A_88 : i32
      %mul3A_91 = arith.constant 32 : i32
      %mul3A_92 = arith.muli %arg0, %mul3A_91 : i32
      %add3A_93 = arith.addi %mul3A_92, %mul3A_90 : i32
      %mul3A_94 = arith.constant 786432 : i32
      %mul3A_95 = arith.muli %add3A_93, %mul3A_94 : i32
      %add3A_96 = arith.constant 262144 : i32
      %add3A_97 = arith.addi %mul3A_95, %add3A_96 : i32
      %add3A_98 = arith.addi %add3A_97, %mul3A_0 : i32
      %dma_wait3A = tpu.memref_slice %arg7[%mul3A_0] : memref<262144xf32, #tpu.memory_space<vmem_shared>> -> memref<16384xf32, #tpu.memory_space<vmem_shared>>
      %dma_wait3A_99 = tpu.memref_slice %arg2[%add3A_98] : memref<50331648xf32, #tpu.memory_space<hbm>> -> memref<16384xf32, #tpu.memory_space<hbm>>
      tpu.wait_dma2 semaphore(%arg9 : memref<!tpu.dma_semaphore, #tpu.memory_space<semaphore_mem>>) src(%dma_wait3A_99 : memref<16384xf32, #tpu.memory_space<hbm>>) dst(%dma_wait3A : memref<16384xf32, #tpu.memory_space<vmem_shared>>)
      %barrier3A = arith.constant 0 : index
      tpu.barrier barrier_id(%barrier3A)
      %mul3A_100 = arith.constant 32 : i32
      %mul3A_101 = arith.muli %arg0, %mul3A_100 : i32
      %add3A_102 = arith.addi %mul3A_101, %mul3A_90 : i32
      %mul3A_103 = arith.constant 786432 : i32
      %mul3A_104 = arith.muli %add3A_102, %mul3A_103 : i32
      %add3A_105 = arith.constant 262144 : i32
      %add3A_106 = arith.addi %mul3A_104, %add3A_105 : i32
      %add3A_107 = arith.addi %add3A_106, %mul3A_0 : i32
      %dma_start3A_108 = arith.constant 0 : i32
      %dma_start3A_109 = tpu.memref_slice %arg6[%dma_start3A_108] : memref<16384xf32, #tpu.memory_space<vmem>> -> memref<8192xf32, #tpu.memory_space<vmem>>
      %dma_start3A_110 = arith.constant 0 : i32
      %dma_start3A_111 = tpu.memref_slice %arg5[%dma_start3A_110] : memref<16384xi32, #tpu.memory_space<vmem>> -> memref<8192xi32, #tpu.memory_space<vmem>>
      %dma_start3A_112 = arith.constant 0 : i32
      %dma_start3A_113 = tpu.memref_slice %arg7[%dma_start3A_112] : memref<262144xf32, #tpu.memory_space<vmem_shared>> -> memref<262144xf32, #tpu.memory_space<vmem_shared>>
      tpu.enqueue_indirect_dma source(%dma_start3A_113 : memref<262144xf32, #tpu.memory_space<vmem_shared>>) target(%dma_start3A_109 : memref<8192xf32, #tpu.memory_space<vmem>>) offsets(%dma_start3A_111 : memref<8192xi32, #tpu.memory_space<vmem>>) semaphore(%arg11 : memref<!tpu.dma_semaphore, #tpu.memory_space<semaphore_mem>>)
      %dma_start3A_114 = arith.constant 8192 : i32
      %dma_start3A_115 = tpu.memref_slice %arg6[%dma_start3A_114] : memref<16384xf32, #tpu.memory_space<vmem>> -> memref<8192xf32, #tpu.memory_space<vmem>>
      %dma_start3A_116 = arith.constant 8192 : i32
      %dma_start3A_117 = tpu.memref_slice %arg5[%dma_start3A_116] : memref<16384xi32, #tpu.memory_space<vmem>> -> memref<8192xi32, #tpu.memory_space<vmem>>
      %dma_start3A_118 = arith.constant 0 : i32
      %dma_start3A_119 = tpu.memref_slice %arg7[%dma_start3A_118] : memref<262144xf32, #tpu.memory_space<vmem_shared>> -> memref<262144xf32, #tpu.memory_space<vmem_shared>>
      tpu.enqueue_indirect_dma source(%dma_start3A_119 : memref<262144xf32, #tpu.memory_space<vmem_shared>>) target(%dma_start3A_115 : memref<8192xf32, #tpu.memory_space<vmem>>) offsets(%dma_start3A_117 : memref<8192xi32, #tpu.memory_space<vmem>>) semaphore(%arg12 : memref<!tpu.dma_semaphore, #tpu.memory_space<semaphore_mem>>)
      %dma_wait3A_120 = arith.constant 0 : i32
      %dma_wait3A_121 = tpu.memref_slice %arg6[%dma_wait3A_120] : memref<16384xf32, #tpu.memory_space<vmem>> -> memref<8192xf32, #tpu.memory_space<vmem>>
      %dma_wait3A_122 = arith.constant 0 : i32
      %dma_wait3A_123 = tpu.memref_slice %arg5[%dma_wait3A_122] : memref<16384xi32, #tpu.memory_space<vmem>> -> memref<8192xi32, #tpu.memory_space<vmem>>
      %dma_wait3A_124 = arith.constant 0 : i32
      %dma_wait3A_125 = tpu.memref_slice %arg7[%dma_wait3A_124] : memref<262144xf32, #tpu.memory_space<vmem_shared>> -> memref<262144xf32, #tpu.memory_space<vmem_shared>>
      tpu.wait_indirect_dma semaphore(%arg11 : memref<!tpu.dma_semaphore, #tpu.memory_space<semaphore_mem>>) src(%dma_wait3A_125 : memref<262144xf32, #tpu.memory_space<vmem_shared>>) dst(%dma_wait3A_121 : memref<8192xf32, #tpu.memory_space<vmem>>)
      %dma_start3A_126 = arith.constant 0 : i32
      %dma_start3A_127 = tpu.memref_slice %arg6[%dma_start3A_126] : memref<16384xf32, #tpu.memory_space<vmem>> -> memref<8192xf32, #tpu.memory_space<vmem>>
      %dma_start3A_128 = tpu.memref_slice %arg4[%add3A_107] : memref<50331648xf32, #tpu.memory_space<hbm>> -> memref<8192xf32, #tpu.memory_space<hbm>>
      %dma_start3A_129 = tpu.memref_slice %arg4[%add3A_107] : memref<50331648xf32, #tpu.memory_space<hbm>> -> memref<8192xf32, #tpu.memory_space<hbm>>
      %dma_start3A_130 = arith.constant 0 : i32
      %dma_start3A_131 = tpu.memref_slice %arg6[%dma_start3A_130] : memref<16384xf32, #tpu.memory_space<vmem>> -> memref<8192xf32, #tpu.memory_space<vmem>>
      tpu.enqueue_dma source(%dma_start3A_131 : memref<8192xf32, #tpu.memory_space<vmem>>) target(%dma_start3A_129 : memref<8192xf32, #tpu.memory_space<hbm>>) target_semaphore(%arg13 : memref<!tpu.dma_semaphore, #tpu.memory_space<semaphore_mem>>)
      %dma_wait3A_132 = arith.constant 8192 : i32
      %dma_wait3A_133 = tpu.memref_slice %arg6[%dma_wait3A_132] : memref<16384xf32, #tpu.memory_space<vmem>> -> memref<8192xf32, #tpu.memory_space<vmem>>
      %dma_wait3A_134 = arith.constant 8192 : i32
      %dma_wait3A_135 = tpu.memref_slice %arg5[%dma_wait3A_134] : memref<16384xi32, #tpu.memory_space<vmem>> -> memref<8192xi32, #tpu.memory_space<vmem>>
      %dma_wait3A_136 = arith.constant 0 : i32
      %dma_wait3A_137 = tpu.memref_slice %arg7[%dma_wait3A_136] : memref<262144xf32, #tpu.memory_space<vmem_shared>> -> memref<262144xf32, #tpu.memory_space<vmem_shared>>
      tpu.wait_indirect_dma semaphore(%arg12 : memref<!tpu.dma_semaphore, #tpu.memory_space<semaphore_mem>>) src(%dma_wait3A_137 : memref<262144xf32, #tpu.memory_space<vmem_shared>>) dst(%dma_wait3A_133 : memref<8192xf32, #tpu.memory_space<vmem>>)
      %add3A_138 = arith.constant 8192 : i32
      %add3A_139 = arith.addi %add3A_107, %add3A_138 : i32
      %dma_start3A_140 = arith.constant 8192 : i32
      %dma_start3A_141 = tpu.memref_slice %arg6[%dma_start3A_140] : memref<16384xf32, #tpu.memory_space<vmem>> -> memref<8192xf32, #tpu.memory_space<vmem>>
      %dma_start3A_142 = tpu.memref_slice %arg4[%add3A_139] : memref<50331648xf32, #tpu.memory_space<hbm>> -> memref<8192xf32, #tpu.memory_space<hbm>>
      %dma_start3A_143 = tpu.memref_slice %arg4[%add3A_139] : memref<50331648xf32, #tpu.memory_space<hbm>> -> memref<8192xf32, #tpu.memory_space<hbm>>
      %dma_start3A_144 = arith.constant 8192 : i32
      %dma_start3A_145 = tpu.memref_slice %arg6[%dma_start3A_144] : memref<16384xf32, #tpu.memory_space<vmem>> -> memref<8192xf32, #tpu.memory_space<vmem>>
      tpu.enqueue_dma source(%dma_start3A_145 : memref<8192xf32, #tpu.memory_space<vmem>>) target(%dma_start3A_143 : memref<8192xf32, #tpu.memory_space<hbm>>) target_semaphore(%arg13 : memref<!tpu.dma_semaphore, #tpu.memory_space<semaphore_mem>>)
      %dma_wait3A_146 = arith.constant 0 : i32
      %dma_wait3A_147 = tpu.memref_slice %arg6[%dma_wait3A_146] : memref<16384xf32, #tpu.memory_space<vmem>> -> memref<8192xf32, #tpu.memory_space<vmem>>
      %dma_wait3A_148 = tpu.memref_slice %arg4[%add3A_107] : memref<50331648xf32, #tpu.memory_space<hbm>> -> memref<8192xf32, #tpu.memory_space<hbm>>
      %dma_wait3A_149 = tpu.memref_slice %arg4[%add3A_107] : memref<50331648xf32, #tpu.memory_space<hbm>> -> memref<8192xf32, #tpu.memory_space<hbm>>
      %dma_wait3A_150 = arith.constant 0 : i32
      %dma_wait3A_151 = tpu.memref_slice %arg6[%dma_wait3A_150] : memref<16384xf32, #tpu.memory_space<vmem>> -> memref<8192xf32, #tpu.memory_space<vmem>>
      tpu.wait_dma2 semaphore(%arg13 : memref<!tpu.dma_semaphore, #tpu.memory_space<semaphore_mem>>) src(%dma_wait3A_151 : memref<8192xf32, #tpu.memory_space<vmem>>) dst(%dma_wait3A_149 : memref<8192xf32, #tpu.memory_space<hbm>>)
      %dma_wait3A_152 = arith.constant 8192 : i32
      %dma_wait3A_153 = tpu.memref_slice %arg6[%dma_wait3A_152] : memref<16384xf32, #tpu.memory_space<vmem>> -> memref<8192xf32, #tpu.memory_space<vmem>>
      %dma_wait3A_154 = tpu.memref_slice %arg4[%add3A_139] : memref<50331648xf32, #tpu.memory_space<hbm>> -> memref<8192xf32, #tpu.memory_space<hbm>>
      %dma_wait3A_155 = tpu.memref_slice %arg4[%add3A_139] : memref<50331648xf32, #tpu.memory_space<hbm>> -> memref<8192xf32, #tpu.memory_space<hbm>>
      %dma_wait3A_156 = arith.constant 8192 : i32
      %dma_wait3A_157 = tpu.memref_slice %arg6[%dma_wait3A_156] : memref<16384xf32, #tpu.memory_space<vmem>> -> memref<8192xf32, #tpu.memory_space<vmem>>
      tpu.wait_dma2 semaphore(%arg13 : memref<!tpu.dma_semaphore, #tpu.memory_space<semaphore_mem>>) src(%dma_wait3A_157 : memref<8192xf32, #tpu.memory_space<vmem>>) dst(%dma_wait3A_155 : memref<8192xf32, #tpu.memory_space<hbm>>)
      %barrier3A_158 = arith.constant 0 : index
      tpu.barrier barrier_id(%barrier3A_158)
      %add3A_159 = arith.constant 2 : i32
      %add3A_160 = arith.addi %mul3A_90, %add3A_159 : i32
      %lt3A = arith.constant 32 : i32
      %lt3A_161 = arith.cmpi slt, %add3A_160, %lt3A : i32
      %convert_element_type3A = arith.extui %lt3A_161 : i1 to i32
      %cond3A = arith.constant 0 : i32
      %cond3A_162 = arith.cmpi ne, %convert_element_type3A, %cond3A : i32
      scf.if %cond3A_162 {
        %add3A_244 = arith.constant 2 : i32
        %add3A_245 = arith.addi %mul3A_90, %add3A_244 : i32
        %mul3A_246 = arith.constant 32 : i32
        %mul3A_247 = arith.muli %arg0, %mul3A_246 : i32
        %add3A_248 = arith.addi %mul3A_247, %add3A_245 : i32
        %mul3A_249 = arith.constant 786432 : i32
        %mul3A_250 = arith.muli %add3A_248, %mul3A_249 : i32
        %add3A_251 = arith.constant 262144 : i32
        %add3A_252 = arith.addi %mul3A_250, %add3A_251 : i32
        %add3A_253 = arith.addi %add3A_252, %mul3A_0 : i32
        %dma_start3A_254 = tpu.memref_slice %arg7[%mul3A_0] : memref<262144xf32, #tpu.memory_space<vmem_shared>> -> memref<16384xf32, #tpu.memory_space<vmem_shared>>
        %dma_start3A_255 = tpu.memref_slice %arg2[%add3A_253] : memref<50331648xf32, #tpu.memory_space<hbm>> -> memref<16384xf32, #tpu.memory_space<hbm>>
        tpu.enqueue_dma source(%dma_start3A_255 : memref<16384xf32, #tpu.memory_space<hbm>>) target(%dma_start3A_254 : memref<16384xf32, #tpu.memory_space<vmem_shared>>) target_semaphore(%arg9 : memref<!tpu.dma_semaphore, #tpu.memory_space<semaphore_mem>>)
      } else {
      }
      %add3A_163 = arith.constant 1 : i32
      %add3A_164 = arith.addi %mul3A_90, %add3A_163 : i32
      %mul3A_165 = arith.constant 32 : i32
      %mul3A_166 = arith.muli %arg0, %mul3A_165 : i32
      %add3A_167 = arith.addi %mul3A_166, %add3A_164 : i32
      %mul3A_168 = arith.constant 786432 : i32
      %mul3A_169 = arith.muli %add3A_167, %mul3A_168 : i32
      %add3A_170 = arith.constant 262144 : i32
      %add3A_171 = arith.addi %mul3A_169, %add3A_170 : i32
      %add3A_172 = arith.addi %add3A_171, %mul3A_0 : i32
      %dma_wait3A_173 = tpu.memref_slice %arg8[%mul3A_0] : memref<262144xf32, #tpu.memory_space<vmem_shared>> -> memref<16384xf32, #tpu.memory_space<vmem_shared>>
      %dma_wait3A_174 = tpu.memref_slice %arg2[%add3A_172] : memref<50331648xf32, #tpu.memory_space<hbm>> -> memref<16384xf32, #tpu.memory_space<hbm>>
      tpu.wait_dma2 semaphore(%arg10 : memref<!tpu.dma_semaphore, #tpu.memory_space<semaphore_mem>>) src(%dma_wait3A_174 : memref<16384xf32, #tpu.memory_space<hbm>>) dst(%dma_wait3A_173 : memref<16384xf32, #tpu.memory_space<vmem_shared>>)
      %barrier3A_175 = arith.constant 0 : index
      tpu.barrier barrier_id(%barrier3A_175)
      %add3A_176 = arith.constant 1 : i32
      %add3A_177 = arith.addi %mul3A_90, %add3A_176 : i32
      %mul3A_178 = arith.constant 32 : i32
      %mul3A_179 = arith.muli %arg0, %mul3A_178 : i32
      %add3A_180 = arith.addi %mul3A_179, %add3A_177 : i32
      %mul3A_181 = arith.constant 786432 : i32
      %mul3A_182 = arith.muli %add3A_180, %mul3A_181 : i32
      %add3A_183 = arith.constant 262144 : i32
      %add3A_184 = arith.addi %mul3A_182, %add3A_183 : i32
      %add3A_185 = arith.addi %add3A_184, %mul3A_0 : i32
      %dma_start3A_186 = arith.constant 0 : i32
      %dma_start3A_187 = tpu.memref_slice %arg6[%dma_start3A_186] : memref<16384xf32, #tpu.memory_space<vmem>> -> memref<8192xf32, #tpu.memory_space<vmem>>
      %dma_start3A_188 = arith.constant 0 : i32
      %dma_start3A_189 = tpu.memref_slice %arg5[%dma_start3A_188] : memref<16384xi32, #tpu.memory_space<vmem>> -> memref<8192xi32, #tpu.memory_space<vmem>>
      %dma_start3A_190 = arith.constant 0 : i32
      %dma_start3A_191 = tpu.memref_slice %arg8[%dma_start3A_190] : memref<262144xf32, #tpu.memory_space<vmem_shared>> -> memref<262144xf32, #tpu.memory_space<vmem_shared>>
      tpu.enqueue_indirect_dma source(%dma_start3A_191 : memref<262144xf32, #tpu.memory_space<vmem_shared>>) target(%dma_start3A_187 : memref<8192xf32, #tpu.memory_space<vmem>>) offsets(%dma_start3A_189 : memref<8192xi32, #tpu.memory_space<vmem>>) semaphore(%arg11 : memref<!tpu.dma_semaphore, #tpu.memory_space<semaphore_mem>>)
      %dma_start3A_192 = arith.constant 8192 : i32
      %dma_start3A_193 = tpu.memref_slice %arg6[%dma_start3A_192] : memref<16384xf32, #tpu.memory_space<vmem>> -> memref<8192xf32, #tpu.memory_space<vmem>>
      %dma_start3A_194 = arith.constant 8192 : i32
      %dma_start3A_195 = tpu.memref_slice %arg5[%dma_start3A_194] : memref<16384xi32, #tpu.memory_space<vmem>> -> memref<8192xi32, #tpu.memory_space<vmem>>
      %dma_start3A_196 = arith.constant 0 : i32
      %dma_start3A_197 = tpu.memref_slice %arg8[%dma_start3A_196] : memref<262144xf32, #tpu.memory_space<vmem_shared>> -> memref<262144xf32, #tpu.memory_space<vmem_shared>>
      tpu.enqueue_indirect_dma source(%dma_start3A_197 : memref<262144xf32, #tpu.memory_space<vmem_shared>>) target(%dma_start3A_193 : memref<8192xf32, #tpu.memory_space<vmem>>) offsets(%dma_start3A_195 : memref<8192xi32, #tpu.memory_space<vmem>>) semaphore(%arg12 : memref<!tpu.dma_semaphore, #tpu.memory_space<semaphore_mem>>)
      %dma_wait3A_198 = arith.constant 0 : i32
      %dma_wait3A_199 = tpu.memref_slice %arg6[%dma_wait3A_198] : memref<16384xf32, #tpu.memory_space<vmem>> -> memref<8192xf32, #tpu.memory_space<vmem>>
      %dma_wait3A_200 = arith.constant 0 : i32
      %dma_wait3A_201 = tpu.memref_slice %arg5[%dma_wait3A_200] : memref<16384xi32, #tpu.memory_space<vmem>> -> memref<8192xi32, #tpu.memory_space<vmem>>
      %dma_wait3A_202 = arith.constant 0 : i32
      %dma_wait3A_203 = tpu.memref_slice %arg8[%dma_wait3A_202] : memref<262144xf32, #tpu.memory_space<vmem_shared>> -> memref<262144xf32, #tpu.memory_space<vmem_shared>>
      tpu.wait_indirect_dma semaphore(%arg11 : memref<!tpu.dma_semaphore, #tpu.memory_space<semaphore_mem>>) src(%dma_wait3A_203 : memref<262144xf32, #tpu.memory_space<vmem_shared>>) dst(%dma_wait3A_199 : memref<8192xf32, #tpu.memory_space<vmem>>)
      %dma_start3A_204 = arith.constant 0 : i32
      %dma_start3A_205 = tpu.memref_slice %arg6[%dma_start3A_204] : memref<16384xf32, #tpu.memory_space<vmem>> -> memref<8192xf32, #tpu.memory_space<vmem>>
      %dma_start3A_206 = tpu.memref_slice %arg4[%add3A_185] : memref<50331648xf32, #tpu.memory_space<hbm>> -> memref<8192xf32, #tpu.memory_space<hbm>>
      %dma_start3A_207 = tpu.memref_slice %arg4[%add3A_185] : memref<50331648xf32, #tpu.memory_space<hbm>> -> memref<8192xf32, #tpu.memory_space<hbm>>
      %dma_start3A_208 = arith.constant 0 : i32
      %dma_start3A_209 = tpu.memref_slice %arg6[%dma_start3A_208] : memref<16384xf32, #tpu.memory_space<vmem>> -> memref<8192xf32, #tpu.memory_space<vmem>>
      tpu.enqueue_dma source(%dma_start3A_209 : memref<8192xf32, #tpu.memory_space<vmem>>) target(%dma_start3A_207 : memref<8192xf32, #tpu.memory_space<hbm>>) target_semaphore(%arg13 : memref<!tpu.dma_semaphore, #tpu.memory_space<semaphore_mem>>)
      %dma_wait3A_210 = arith.constant 8192 : i32
      %dma_wait3A_211 = tpu.memref_slice %arg6[%dma_wait3A_210] : memref<16384xf32, #tpu.memory_space<vmem>> -> memref<8192xf32, #tpu.memory_space<vmem>>
      %dma_wait3A_212 = arith.constant 8192 : i32
      %dma_wait3A_213 = tpu.memref_slice %arg5[%dma_wait3A_212] : memref<16384xi32, #tpu.memory_space<vmem>> -> memref<8192xi32, #tpu.memory_space<vmem>>
      %dma_wait3A_214 = arith.constant 0 : i32
      %dma_wait3A_215 = tpu.memref_slice %arg8[%dma_wait3A_214] : memref<262144xf32, #tpu.memory_space<vmem_shared>> -> memref<262144xf32, #tpu.memory_space<vmem_shared>>
      tpu.wait_indirect_dma semaphore(%arg12 : memref<!tpu.dma_semaphore, #tpu.memory_space<semaphore_mem>>) src(%dma_wait3A_215 : memref<262144xf32, #tpu.memory_space<vmem_shared>>) dst(%dma_wait3A_211 : memref<8192xf32, #tpu.memory_space<vmem>>)
      %add3A_216 = arith.constant 8192 : i32
      %add3A_217 = arith.addi %add3A_185, %add3A_216 : i32
      %dma_start3A_218 = arith.constant 8192 : i32
      %dma_start3A_219 = tpu.memref_slice %arg6[%dma_start3A_218] : memref<16384xf32, #tpu.memory_space<vmem>> -> memref<8192xf32, #tpu.memory_space<vmem>>
      %dma_start3A_220 = tpu.memref_slice %arg4[%add3A_217] : memref<50331648xf32, #tpu.memory_space<hbm>> -> memref<8192xf32, #tpu.memory_space<hbm>>
      %dma_start3A_221 = tpu.memref_slice %arg4[%add3A_217] : memref<50331648xf32, #tpu.memory_space<hbm>> -> memref<8192xf32, #tpu.memory_space<hbm>>
      %dma_start3A_222 = arith.constant 8192 : i32
      %dma_start3A_223 = tpu.memref_slice %arg6[%dma_start3A_222] : memref<16384xf32, #tpu.memory_space<vmem>> -> memref<8192xf32, #tpu.memory_space<vmem>>
      tpu.enqueue_dma source(%dma_start3A_223 : memref<8192xf32, #tpu.memory_space<vmem>>) target(%dma_start3A_221 : memref<8192xf32, #tpu.memory_space<hbm>>) target_semaphore(%arg13 : memref<!tpu.dma_semaphore, #tpu.memory_space<semaphore_mem>>)
      %dma_wait3A_224 = arith.constant 0 : i32
      %dma_wait3A_225 = tpu.memref_slice %arg6[%dma_wait3A_224] : memref<16384xf32, #tpu.memory_space<vmem>> -> memref<8192xf32, #tpu.memory_space<vmem>>
      %dma_wait3A_226 = tpu.memref_slice %arg4[%add3A_185] : memref<50331648xf32, #tpu.memory_space<hbm>> -> memref<8192xf32, #tpu.memory_space<hbm>>
      %dma_wait3A_227 = tpu.memref_slice %arg4[%add3A_185] : memref<50331648xf32, #tpu.memory_space<hbm>> -> memref<8192xf32, #tpu.memory_space<hbm>>
      %dma_wait3A_228 = arith.constant 0 : i32
      %dma_wait3A_229 = tpu.memref_slice %arg6[%dma_wait3A_228] : memref<16384xf32, #tpu.memory_space<vmem>> -> memref<8192xf32, #tpu.memory_space<vmem>>
      tpu.wait_dma2 semaphore(%arg13 : memref<!tpu.dma_semaphore, #tpu.memory_space<semaphore_mem>>) src(%dma_wait3A_229 : memref<8192xf32, #tpu.memory_space<vmem>>) dst(%dma_wait3A_227 : memref<8192xf32, #tpu.memory_space<hbm>>)
      %dma_wait3A_230 = arith.constant 8192 : i32
      %dma_wait3A_231 = tpu.memref_slice %arg6[%dma_wait3A_230] : memref<16384xf32, #tpu.memory_space<vmem>> -> memref<8192xf32, #tpu.memory_space<vmem>>
      %dma_wait3A_232 = tpu.memref_slice %arg4[%add3A_217] : memref<50331648xf32, #tpu.memory_space<hbm>> -> memref<8192xf32, #tpu.memory_space<hbm>>
      %dma_wait3A_233 = tpu.memref_slice %arg4[%add3A_217] : memref<50331648xf32, #tpu.memory_space<hbm>> -> memref<8192xf32, #tpu.memory_space<hbm>>
      %dma_wait3A_234 = arith.constant 8192 : i32
      %dma_wait3A_235 = tpu.memref_slice %arg6[%dma_wait3A_234] : memref<16384xf32, #tpu.memory_space<vmem>> -> memref<8192xf32, #tpu.memory_space<vmem>>
      tpu.wait_dma2 semaphore(%arg13 : memref<!tpu.dma_semaphore, #tpu.memory_space<semaphore_mem>>) src(%dma_wait3A_235 : memref<8192xf32, #tpu.memory_space<vmem>>) dst(%dma_wait3A_233 : memref<8192xf32, #tpu.memory_space<hbm>>)
      %barrier3A_236 = arith.constant 0 : index
      tpu.barrier barrier_id(%barrier3A_236)
      %add3A_237 = arith.constant 3 : i32
      %add3A_238 = arith.addi %mul3A_90, %add3A_237 : i32
      %lt3A_239 = arith.constant 32 : i32
      %lt3A_240 = arith.cmpi slt, %add3A_238, %lt3A_239 : i32
      %convert_element_type3A_241 = arith.extui %lt3A_240 : i1 to i32
      %cond3A_242 = arith.constant 0 : i32
      %cond3A_243 = arith.cmpi ne, %convert_element_type3A_241, %cond3A_242 : i32
      scf.if %cond3A_243 {
        %add3A_244 = arith.constant 3 : i32
        %add3A_245 = arith.addi %mul3A_90, %add3A_244 : i32
        %mul3A_246 = arith.constant 32 : i32
        %mul3A_247 = arith.muli %arg0, %mul3A_246 : i32
        %add3A_248 = arith.addi %mul3A_247, %add3A_245 : i32
        %mul3A_249 = arith.constant 786432 : i32
        %mul3A_250 = arith.muli %add3A_248, %mul3A_249 : i32
        %add3A_251 = arith.constant 262144 : i32
        %add3A_252 = arith.addi %mul3A_250, %add3A_251 : i32
        %add3A_253 = arith.addi %add3A_252, %mul3A_0 : i32
        %dma_start3A_254 = tpu.memref_slice %arg8[%mul3A_0] : memref<262144xf32, #tpu.memory_space<vmem_shared>> -> memref<16384xf32, #tpu.memory_space<vmem_shared>>
        %dma_start3A_255 = tpu.memref_slice %arg2[%add3A_253] : memref<50331648xf32, #tpu.memory_space<hbm>> -> memref<16384xf32, #tpu.memory_space<hbm>>
        tpu.enqueue_dma source(%dma_start3A_255 : memref<16384xf32, #tpu.memory_space<hbm>>) target(%dma_start3A_254 : memref<16384xf32, #tpu.memory_space<vmem_shared>>) target_semaphore(%arg10 : memref<!tpu.dma_semaphore, #tpu.memory_space<semaphore_mem>>)
      } else {
      }
    }
    %scan3A_57 = arith.constant 16 : i32
    %add3A_58 = arith.constant 524288 : i32
    %add3A_59 = arith.addi %add3A_58, %mul3A_0 : i32
    "tpu.region"() ({
      %run_scoped3A = tpu.sem_alloc : memref<!tpu.dma_semaphore, #tpu.memory_space<semaphore_mem>>
      %dma_start3A_88 = tpu.memref_slice %arg3[%add3A_59] : memref<786432xi32, #tpu.memory_space<hbm>> -> memref<16384xi32, #tpu.memory_space<hbm>>
      %dma_start3A_89 = tpu.memref_slice %arg3[%add3A_59] : memref<786432xi32, #tpu.memory_space<hbm>> -> memref<16384xi32, #tpu.memory_space<hbm>>
      tpu.enqueue_dma source(%dma_start3A_89 : memref<16384xi32, #tpu.memory_space<hbm>>) target(%arg5 : memref<16384xi32, #tpu.memory_space<vmem>>) target_semaphore(%run_scoped3A : memref<!tpu.dma_semaphore, #tpu.memory_space<semaphore_mem>>)
      %dma_wait3A = tpu.memref_slice %arg3[%add3A_59] : memref<786432xi32, #tpu.memory_space<hbm>> -> memref<16384xi32, #tpu.memory_space<hbm>>
      %dma_wait3A_90 = tpu.memref_slice %arg3[%add3A_59] : memref<786432xi32, #tpu.memory_space<hbm>> -> memref<16384xi32, #tpu.memory_space<hbm>>
      tpu.wait_dma2 semaphore(%run_scoped3A : memref<!tpu.dma_semaphore, #tpu.memory_space<semaphore_mem>>) src(%dma_wait3A_90 : memref<16384xi32, #tpu.memory_space<hbm>>) dst(%arg5 : memref<16384xi32, #tpu.memory_space<vmem>>)
      tpu.yield
    }) : () -> ()
    %mul3A_60 = arith.constant 32 : i32
    %mul3A_61 = arith.muli %arg0, %mul3A_60 : i32
    %add3A_62 = arith.constant 0 : i32
    %add3A_63 = arith.addi %mul3A_61, %add3A_62 : i32
    %mul3A_64 = arith.constant 786432 : i32
    %mul3A_65 = arith.muli %add3A_63, %mul3A_64 : i32
    %add3A_66 = arith.constant 524288 : i32
    %add3A_67 = arith.addi %mul3A_65, %add3A_66 : i32
    %add3A_68 = arith.addi %add3A_67, %mul3A_0 : i32
    %dma_start3A_69 = tpu.memref_slice %arg7[%mul3A_0] : memref<262144xf32, #tpu.memory_space<vmem_shared>> -> memref<16384xf32, #tpu.memory_space<vmem_shared>>
    %dma_start3A_70 = tpu.memref_slice %arg2[%add3A_68] : memref<50331648xf32, #tpu.memory_space<hbm>> -> memref<16384xf32, #tpu.memory_space<hbm>>
    tpu.enqueue_dma source(%dma_start3A_70 : memref<16384xf32, #tpu.memory_space<hbm>>) target(%dma_start3A_69 : memref<16384xf32, #tpu.memory_space<vmem_shared>>) target_semaphore(%arg9 : memref<!tpu.dma_semaphore, #tpu.memory_space<semaphore_mem>>)
    %mul3A_71 = arith.constant 32 : i32
    %mul3A_72 = arith.muli %arg0, %mul3A_71 : i32
    %add3A_73 = arith.constant 1 : i32
    %add3A_74 = arith.addi %mul3A_72, %add3A_73 : i32
    %mul3A_75 = arith.constant 786432 : i32
    %mul3A_76 = arith.muli %add3A_74, %mul3A_75 : i32
    %add3A_77 = arith.constant 524288 : i32
    %add3A_78 = arith.addi %mul3A_76, %add3A_77 : i32
    %add3A_79 = arith.addi %add3A_78, %mul3A_0 : i32
    %dma_start3A_80 = tpu.memref_slice %arg8[%mul3A_0] : memref<262144xf32, #tpu.memory_space<vmem_shared>> -> memref<16384xf32, #tpu.memory_space<vmem_shared>>
    %dma_start3A_81 = tpu.memref_slice %arg2[%add3A_79] : memref<50331648xf32, #tpu.memory_space<hbm>> -> memref<16384xf32, #tpu.memory_space<hbm>>
    tpu.enqueue_dma source(%dma_start3A_81 : memref<16384xf32, #tpu.memory_space<hbm>>) target(%dma_start3A_80 : memref<16384xf32, #tpu.memory_space<vmem_shared>>) target_semaphore(%arg10 : memref<!tpu.dma_semaphore, #tpu.memory_space<semaphore_mem>>)
    %scan3A_82 = arith.constant 0 : i32
    %scan3A_83 = arith.constant 0 : i32
    %scan3A_84 = arith.constant 16 : i32
    %scan3A_85 = arith.addi %scan3A_83, %scan3A_84 : i32
    %scan3A_86 = arith.constant 1 : i32
    scf.for %scan3A_88 = %scan3A_83 to %scan3A_85 step %scan3A_86  : i32 {
      %mul3A_89 = arith.constant 2 : i32
      %mul3A_90 = arith.muli %mul3A_89, %scan3A_88 : i32
      %mul3A_91 = arith.constant 32 : i32
      %mul3A_92 = arith.muli %arg0, %mul3A_91 : i32
      %add3A_93 = arith.addi %mul3A_92, %mul3A_90 : i32
      %mul3A_94 = arith.constant 786432 : i32
      %mul3A_95 = arith.muli %add3A_93, %mul3A_94 : i32
      %add3A_96 = arith.constant 524288 : i32
      %add3A_97 = arith.addi %mul3A_95, %add3A_96 : i32
      %add3A_98 = arith.addi %add3A_97, %mul3A_0 : i32
      %dma_wait3A = tpu.memref_slice %arg7[%mul3A_0] : memref<262144xf32, #tpu.memory_space<vmem_shared>> -> memref<16384xf32, #tpu.memory_space<vmem_shared>>
      %dma_wait3A_99 = tpu.memref_slice %arg2[%add3A_98] : memref<50331648xf32, #tpu.memory_space<hbm>> -> memref<16384xf32, #tpu.memory_space<hbm>>
      tpu.wait_dma2 semaphore(%arg9 : memref<!tpu.dma_semaphore, #tpu.memory_space<semaphore_mem>>) src(%dma_wait3A_99 : memref<16384xf32, #tpu.memory_space<hbm>>) dst(%dma_wait3A : memref<16384xf32, #tpu.memory_space<vmem_shared>>)
      %barrier3A = arith.constant 0 : index
      tpu.barrier barrier_id(%barrier3A)
      %mul3A_100 = arith.constant 32 : i32
      %mul3A_101 = arith.muli %arg0, %mul3A_100 : i32
      %add3A_102 = arith.addi %mul3A_101, %mul3A_90 : i32
      %mul3A_103 = arith.constant 786432 : i32
      %mul3A_104 = arith.muli %add3A_102, %mul3A_103 : i32
      %add3A_105 = arith.constant 524288 : i32
      %add3A_106 = arith.addi %mul3A_104, %add3A_105 : i32
      %add3A_107 = arith.addi %add3A_106, %mul3A_0 : i32
      %dma_start3A_108 = arith.constant 0 : i32
      %dma_start3A_109 = tpu.memref_slice %arg6[%dma_start3A_108] : memref<16384xf32, #tpu.memory_space<vmem>> -> memref<8192xf32, #tpu.memory_space<vmem>>
      %dma_start3A_110 = arith.constant 0 : i32
      %dma_start3A_111 = tpu.memref_slice %arg5[%dma_start3A_110] : memref<16384xi32, #tpu.memory_space<vmem>> -> memref<8192xi32, #tpu.memory_space<vmem>>
      %dma_start3A_112 = arith.constant 0 : i32
      %dma_start3A_113 = tpu.memref_slice %arg7[%dma_start3A_112] : memref<262144xf32, #tpu.memory_space<vmem_shared>> -> memref<262144xf32, #tpu.memory_space<vmem_shared>>
      tpu.enqueue_indirect_dma source(%dma_start3A_113 : memref<262144xf32, #tpu.memory_space<vmem_shared>>) target(%dma_start3A_109 : memref<8192xf32, #tpu.memory_space<vmem>>) offsets(%dma_start3A_111 : memref<8192xi32, #tpu.memory_space<vmem>>) semaphore(%arg11 : memref<!tpu.dma_semaphore, #tpu.memory_space<semaphore_mem>>)
      %dma_start3A_114 = arith.constant 8192 : i32
      %dma_start3A_115 = tpu.memref_slice %arg6[%dma_start3A_114] : memref<16384xf32, #tpu.memory_space<vmem>> -> memref<8192xf32, #tpu.memory_space<vmem>>
      %dma_start3A_116 = arith.constant 8192 : i32
      %dma_start3A_117 = tpu.memref_slice %arg5[%dma_start3A_116] : memref<16384xi32, #tpu.memory_space<vmem>> -> memref<8192xi32, #tpu.memory_space<vmem>>
      %dma_start3A_118 = arith.constant 0 : i32
      %dma_start3A_119 = tpu.memref_slice %arg7[%dma_start3A_118] : memref<262144xf32, #tpu.memory_space<vmem_shared>> -> memref<262144xf32, #tpu.memory_space<vmem_shared>>
      tpu.enqueue_indirect_dma source(%dma_start3A_119 : memref<262144xf32, #tpu.memory_space<vmem_shared>>) target(%dma_start3A_115 : memref<8192xf32, #tpu.memory_space<vmem>>) offsets(%dma_start3A_117 : memref<8192xi32, #tpu.memory_space<vmem>>) semaphore(%arg12 : memref<!tpu.dma_semaphore, #tpu.memory_space<semaphore_mem>>)
      %dma_wait3A_120 = arith.constant 0 : i32
      %dma_wait3A_121 = tpu.memref_slice %arg6[%dma_wait3A_120] : memref<16384xf32, #tpu.memory_space<vmem>> -> memref<8192xf32, #tpu.memory_space<vmem>>
      %dma_wait3A_122 = arith.constant 0 : i32
      %dma_wait3A_123 = tpu.memref_slice %arg5[%dma_wait3A_122] : memref<16384xi32, #tpu.memory_space<vmem>> -> memref<8192xi32, #tpu.memory_space<vmem>>
      %dma_wait3A_124 = arith.constant 0 : i32
      %dma_wait3A_125 = tpu.memref_slice %arg7[%dma_wait3A_124] : memref<262144xf32, #tpu.memory_space<vmem_shared>> -> memref<262144xf32, #tpu.memory_space<vmem_shared>>
      tpu.wait_indirect_dma semaphore(%arg11 : memref<!tpu.dma_semaphore, #tpu.memory_space<semaphore_mem>>) src(%dma_wait3A_125 : memref<262144xf32, #tpu.memory_space<vmem_shared>>) dst(%dma_wait3A_121 : memref<8192xf32, #tpu.memory_space<vmem>>)
      %dma_start3A_126 = arith.constant 0 : i32
      %dma_start3A_127 = tpu.memref_slice %arg6[%dma_start3A_126] : memref<16384xf32, #tpu.memory_space<vmem>> -> memref<8192xf32, #tpu.memory_space<vmem>>
      %dma_start3A_128 = tpu.memref_slice %arg4[%add3A_107] : memref<50331648xf32, #tpu.memory_space<hbm>> -> memref<8192xf32, #tpu.memory_space<hbm>>
      %dma_start3A_129 = tpu.memref_slice %arg4[%add3A_107] : memref<50331648xf32, #tpu.memory_space<hbm>> -> memref<8192xf32, #tpu.memory_space<hbm>>
      %dma_start3A_130 = arith.constant 0 : i32
      %dma_start3A_131 = tpu.memref_slice %arg6[%dma_start3A_130] : memref<16384xf32, #tpu.memory_space<vmem>> -> memref<8192xf32, #tpu.memory_space<vmem>>
      tpu.enqueue_dma source(%dma_start3A_131 : memref<8192xf32, #tpu.memory_space<vmem>>) target(%dma_start3A_129 : memref<8192xf32, #tpu.memory_space<hbm>>) target_semaphore(%arg13 : memref<!tpu.dma_semaphore, #tpu.memory_space<semaphore_mem>>)
      %dma_wait3A_132 = arith.constant 8192 : i32
      %dma_wait3A_133 = tpu.memref_slice %arg6[%dma_wait3A_132] : memref<16384xf32, #tpu.memory_space<vmem>> -> memref<8192xf32, #tpu.memory_space<vmem>>
      %dma_wait3A_134 = arith.constant 8192 : i32
      %dma_wait3A_135 = tpu.memref_slice %arg5[%dma_wait3A_134] : memref<16384xi32, #tpu.memory_space<vmem>> -> memref<8192xi32, #tpu.memory_space<vmem>>
      %dma_wait3A_136 = arith.constant 0 : i32
      %dma_wait3A_137 = tpu.memref_slice %arg7[%dma_wait3A_136] : memref<262144xf32, #tpu.memory_space<vmem_shared>> -> memref<262144xf32, #tpu.memory_space<vmem_shared>>
      tpu.wait_indirect_dma semaphore(%arg12 : memref<!tpu.dma_semaphore, #tpu.memory_space<semaphore_mem>>) src(%dma_wait3A_137 : memref<262144xf32, #tpu.memory_space<vmem_shared>>) dst(%dma_wait3A_133 : memref<8192xf32, #tpu.memory_space<vmem>>)
      %add3A_138 = arith.constant 8192 : i32
      %add3A_139 = arith.addi %add3A_107, %add3A_138 : i32
      %dma_start3A_140 = arith.constant 8192 : i32
      %dma_start3A_141 = tpu.memref_slice %arg6[%dma_start3A_140] : memref<16384xf32, #tpu.memory_space<vmem>> -> memref<8192xf32, #tpu.memory_space<vmem>>
      %dma_start3A_142 = tpu.memref_slice %arg4[%add3A_139] : memref<50331648xf32, #tpu.memory_space<hbm>> -> memref<8192xf32, #tpu.memory_space<hbm>>
      %dma_start3A_143 = tpu.memref_slice %arg4[%add3A_139] : memref<50331648xf32, #tpu.memory_space<hbm>> -> memref<8192xf32, #tpu.memory_space<hbm>>
      %dma_start3A_144 = arith.constant 8192 : i32
      %dma_start3A_145 = tpu.memref_slice %arg6[%dma_start3A_144] : memref<16384xf32, #tpu.memory_space<vmem>> -> memref<8192xf32, #tpu.memory_space<vmem>>
      tpu.enqueue_dma source(%dma_start3A_145 : memref<8192xf32, #tpu.memory_space<vmem>>) target(%dma_start3A_143 : memref<8192xf32, #tpu.memory_space<hbm>>) target_semaphore(%arg13 : memref<!tpu.dma_semaphore, #tpu.memory_space<semaphore_mem>>)
      %dma_wait3A_146 = arith.constant 0 : i32
      %dma_wait3A_147 = tpu.memref_slice %arg6[%dma_wait3A_146] : memref<16384xf32, #tpu.memory_space<vmem>> -> memref<8192xf32, #tpu.memory_space<vmem>>
      %dma_wait3A_148 = tpu.memref_slice %arg4[%add3A_107] : memref<50331648xf32, #tpu.memory_space<hbm>> -> memref<8192xf32, #tpu.memory_space<hbm>>
      %dma_wait3A_149 = tpu.memref_slice %arg4[%add3A_107] : memref<50331648xf32, #tpu.memory_space<hbm>> -> memref<8192xf32, #tpu.memory_space<hbm>>
      %dma_wait3A_150 = arith.constant 0 : i32
      %dma_wait3A_151 = tpu.memref_slice %arg6[%dma_wait3A_150] : memref<16384xf32, #tpu.memory_space<vmem>> -> memref<8192xf32, #tpu.memory_space<vmem>>
      tpu.wait_dma2 semaphore(%arg13 : memref<!tpu.dma_semaphore, #tpu.memory_space<semaphore_mem>>) src(%dma_wait3A_151 : memref<8192xf32, #tpu.memory_space<vmem>>) dst(%dma_wait3A_149 : memref<8192xf32, #tpu.memory_space<hbm>>)
      %dma_wait3A_152 = arith.constant 8192 : i32
      %dma_wait3A_153 = tpu.memref_slice %arg6[%dma_wait3A_152] : memref<16384xf32, #tpu.memory_space<vmem>> -> memref<8192xf32, #tpu.memory_space<vmem>>
      %dma_wait3A_154 = tpu.memref_slice %arg4[%add3A_139] : memref<50331648xf32, #tpu.memory_space<hbm>> -> memref<8192xf32, #tpu.memory_space<hbm>>
      %dma_wait3A_155 = tpu.memref_slice %arg4[%add3A_139] : memref<50331648xf32, #tpu.memory_space<hbm>> -> memref<8192xf32, #tpu.memory_space<hbm>>
      %dma_wait3A_156 = arith.constant 8192 : i32
      %dma_wait3A_157 = tpu.memref_slice %arg6[%dma_wait3A_156] : memref<16384xf32, #tpu.memory_space<vmem>> -> memref<8192xf32, #tpu.memory_space<vmem>>
      tpu.wait_dma2 semaphore(%arg13 : memref<!tpu.dma_semaphore, #tpu.memory_space<semaphore_mem>>) src(%dma_wait3A_157 : memref<8192xf32, #tpu.memory_space<vmem>>) dst(%dma_wait3A_155 : memref<8192xf32, #tpu.memory_space<hbm>>)
      %barrier3A_158 = arith.constant 0 : index
      tpu.barrier barrier_id(%barrier3A_158)
      %add3A_159 = arith.constant 2 : i32
      %add3A_160 = arith.addi %mul3A_90, %add3A_159 : i32
      %lt3A = arith.constant 32 : i32
      %lt3A_161 = arith.cmpi slt, %add3A_160, %lt3A : i32
      %convert_element_type3A = arith.extui %lt3A_161 : i1 to i32
      %cond3A = arith.constant 0 : i32
      %cond3A_162 = arith.cmpi ne, %convert_element_type3A, %cond3A : i32
      scf.if %cond3A_162 {
        %add3A_244 = arith.constant 2 : i32
        %add3A_245 = arith.addi %mul3A_90, %add3A_244 : i32
        %mul3A_246 = arith.constant 32 : i32
        %mul3A_247 = arith.muli %arg0, %mul3A_246 : i32
        %add3A_248 = arith.addi %mul3A_247, %add3A_245 : i32
        %mul3A_249 = arith.constant 786432 : i32
        %mul3A_250 = arith.muli %add3A_248, %mul3A_249 : i32
        %add3A_251 = arith.constant 524288 : i32
        %add3A_252 = arith.addi %mul3A_250, %add3A_251 : i32
        %add3A_253 = arith.addi %add3A_252, %mul3A_0 : i32
        %dma_start3A_254 = tpu.memref_slice %arg7[%mul3A_0] : memref<262144xf32, #tpu.memory_space<vmem_shared>> -> memref<16384xf32, #tpu.memory_space<vmem_shared>>
        %dma_start3A_255 = tpu.memref_slice %arg2[%add3A_253] : memref<50331648xf32, #tpu.memory_space<hbm>> -> memref<16384xf32, #tpu.memory_space<hbm>>
        tpu.enqueue_dma source(%dma_start3A_255 : memref<16384xf32, #tpu.memory_space<hbm>>) target(%dma_start3A_254 : memref<16384xf32, #tpu.memory_space<vmem_shared>>) target_semaphore(%arg9 : memref<!tpu.dma_semaphore, #tpu.memory_space<semaphore_mem>>)
      } else {
      }
      %add3A_163 = arith.constant 1 : i32
      %add3A_164 = arith.addi %mul3A_90, %add3A_163 : i32
      %mul3A_165 = arith.constant 32 : i32
      %mul3A_166 = arith.muli %arg0, %mul3A_165 : i32
      %add3A_167 = arith.addi %mul3A_166, %add3A_164 : i32
      %mul3A_168 = arith.constant 786432 : i32
      %mul3A_169 = arith.muli %add3A_167, %mul3A_168 : i32
      %add3A_170 = arith.constant 524288 : i32
      %add3A_171 = arith.addi %mul3A_169, %add3A_170 : i32
      %add3A_172 = arith.addi %add3A_171, %mul3A_0 : i32
      %dma_wait3A_173 = tpu.memref_slice %arg8[%mul3A_0] : memref<262144xf32, #tpu.memory_space<vmem_shared>> -> memref<16384xf32, #tpu.memory_space<vmem_shared>>
      %dma_wait3A_174 = tpu.memref_slice %arg2[%add3A_172] : memref<50331648xf32, #tpu.memory_space<hbm>> -> memref<16384xf32, #tpu.memory_space<hbm>>
      tpu.wait_dma2 semaphore(%arg10 : memref<!tpu.dma_semaphore, #tpu.memory_space<semaphore_mem>>) src(%dma_wait3A_174 : memref<16384xf32, #tpu.memory_space<hbm>>) dst(%dma_wait3A_173 : memref<16384xf32, #tpu.memory_space<vmem_shared>>)
      %barrier3A_175 = arith.constant 0 : index
      tpu.barrier barrier_id(%barrier3A_175)
      %add3A_176 = arith.constant 1 : i32
      %add3A_177 = arith.addi %mul3A_90, %add3A_176 : i32
      %mul3A_178 = arith.constant 32 : i32
      %mul3A_179 = arith.muli %arg0, %mul3A_178 : i32
      %add3A_180 = arith.addi %mul3A_179, %add3A_177 : i32
      %mul3A_181 = arith.constant 786432 : i32
      %mul3A_182 = arith.muli %add3A_180, %mul3A_181 : i32
      %add3A_183 = arith.constant 524288 : i32
      %add3A_184 = arith.addi %mul3A_182, %add3A_183 : i32
      %add3A_185 = arith.addi %add3A_184, %mul3A_0 : i32
      %dma_start3A_186 = arith.constant 0 : i32
      %dma_start3A_187 = tpu.memref_slice %arg6[%dma_start3A_186] : memref<16384xf32, #tpu.memory_space<vmem>> -> memref<8192xf32, #tpu.memory_space<vmem>>
      %dma_start3A_188 = arith.constant 0 : i32
      %dma_start3A_189 = tpu.memref_slice %arg5[%dma_start3A_188] : memref<16384xi32, #tpu.memory_space<vmem>> -> memref<8192xi32, #tpu.memory_space<vmem>>
      %dma_start3A_190 = arith.constant 0 : i32
      %dma_start3A_191 = tpu.memref_slice %arg8[%dma_start3A_190] : memref<262144xf32, #tpu.memory_space<vmem_shared>> -> memref<262144xf32, #tpu.memory_space<vmem_shared>>
      tpu.enqueue_indirect_dma source(%dma_start3A_191 : memref<262144xf32, #tpu.memory_space<vmem_shared>>) target(%dma_start3A_187 : memref<8192xf32, #tpu.memory_space<vmem>>) offsets(%dma_start3A_189 : memref<8192xi32, #tpu.memory_space<vmem>>) semaphore(%arg11 : memref<!tpu.dma_semaphore, #tpu.memory_space<semaphore_mem>>)
      %dma_start3A_192 = arith.constant 8192 : i32
      %dma_start3A_193 = tpu.memref_slice %arg6[%dma_start3A_192] : memref<16384xf32, #tpu.memory_space<vmem>> -> memref<8192xf32, #tpu.memory_space<vmem>>
      %dma_start3A_194 = arith.constant 8192 : i32
      %dma_start3A_195 = tpu.memref_slice %arg5[%dma_start3A_194] : memref<16384xi32, #tpu.memory_space<vmem>> -> memref<8192xi32, #tpu.memory_space<vmem>>
      %dma_start3A_196 = arith.constant 0 : i32
      %dma_start3A_197 = tpu.memref_slice %arg8[%dma_start3A_196] : memref<262144xf32, #tpu.memory_space<vmem_shared>> -> memref<262144xf32, #tpu.memory_space<vmem_shared>>
      tpu.enqueue_indirect_dma source(%dma_start3A_197 : memref<262144xf32, #tpu.memory_space<vmem_shared>>) target(%dma_start3A_193 : memref<8192xf32, #tpu.memory_space<vmem>>) offsets(%dma_start3A_195 : memref<8192xi32, #tpu.memory_space<vmem>>) semaphore(%arg12 : memref<!tpu.dma_semaphore, #tpu.memory_space<semaphore_mem>>)
      %dma_wait3A_198 = arith.constant 0 : i32
      %dma_wait3A_199 = tpu.memref_slice %arg6[%dma_wait3A_198] : memref<16384xf32, #tpu.memory_space<vmem>> -> memref<8192xf32, #tpu.memory_space<vmem>>
      %dma_wait3A_200 = arith.constant 0 : i32
      %dma_wait3A_201 = tpu.memref_slice %arg5[%dma_wait3A_200] : memref<16384xi32, #tpu.memory_space<vmem>> -> memref<8192xi32, #tpu.memory_space<vmem>>
      %dma_wait3A_202 = arith.constant 0 : i32
      %dma_wait3A_203 = tpu.memref_slice %arg8[%dma_wait3A_202] : memref<262144xf32, #tpu.memory_space<vmem_shared>> -> memref<262144xf32, #tpu.memory_space<vmem_shared>>
      tpu.wait_indirect_dma semaphore(%arg11 : memref<!tpu.dma_semaphore, #tpu.memory_space<semaphore_mem>>) src(%dma_wait3A_203 : memref<262144xf32, #tpu.memory_space<vmem_shared>>) dst(%dma_wait3A_199 : memref<8192xf32, #tpu.memory_space<vmem>>)
      %dma_start3A_204 = arith.constant 0 : i32
      %dma_start3A_205 = tpu.memref_slice %arg6[%dma_start3A_204] : memref<16384xf32, #tpu.memory_space<vmem>> -> memref<8192xf32, #tpu.memory_space<vmem>>
      %dma_start3A_206 = tpu.memref_slice %arg4[%add3A_185] : memref<50331648xf32, #tpu.memory_space<hbm>> -> memref<8192xf32, #tpu.memory_space<hbm>>
      %dma_start3A_207 = tpu.memref_slice %arg4[%add3A_185] : memref<50331648xf32, #tpu.memory_space<hbm>> -> memref<8192xf32, #tpu.memory_space<hbm>>
      %dma_start3A_208 = arith.constant 0 : i32
      %dma_start3A_209 = tpu.memref_slice %arg6[%dma_start3A_208] : memref<16384xf32, #tpu.memory_space<vmem>> -> memref<8192xf32, #tpu.memory_space<vmem>>
      tpu.enqueue_dma source(%dma_start3A_209 : memref<8192xf32, #tpu.memory_space<vmem>>) target(%dma_start3A_207 : memref<8192xf32, #tpu.memory_space<hbm>>) target_semaphore(%arg13 : memref<!tpu.dma_semaphore, #tpu.memory_space<semaphore_mem>>)
      %dma_wait3A_210 = arith.constant 8192 : i32
      %dma_wait3A_211 = tpu.memref_slice %arg6[%dma_wait3A_210] : memref<16384xf32, #tpu.memory_space<vmem>> -> memref<8192xf32, #tpu.memory_space<vmem>>
      %dma_wait3A_212 = arith.constant 8192 : i32
      %dma_wait3A_213 = tpu.memref_slice %arg5[%dma_wait3A_212] : memref<16384xi32, #tpu.memory_space<vmem>> -> memref<8192xi32, #tpu.memory_space<vmem>>
      %dma_wait3A_214 = arith.constant 0 : i32
      %dma_wait3A_215 = tpu.memref_slice %arg8[%dma_wait3A_214] : memref<262144xf32, #tpu.memory_space<vmem_shared>> -> memref<262144xf32, #tpu.memory_space<vmem_shared>>
      tpu.wait_indirect_dma semaphore(%arg12 : memref<!tpu.dma_semaphore, #tpu.memory_space<semaphore_mem>>) src(%dma_wait3A_215 : memref<262144xf32, #tpu.memory_space<vmem_shared>>) dst(%dma_wait3A_211 : memref<8192xf32, #tpu.memory_space<vmem>>)
      %add3A_216 = arith.constant 8192 : i32
      %add3A_217 = arith.addi %add3A_185, %add3A_216 : i32
      %dma_start3A_218 = arith.constant 8192 : i32
      %dma_start3A_219 = tpu.memref_slice %arg6[%dma_start3A_218] : memref<16384xf32, #tpu.memory_space<vmem>> -> memref<8192xf32, #tpu.memory_space<vmem>>
      %dma_start3A_220 = tpu.memref_slice %arg4[%add3A_217] : memref<50331648xf32, #tpu.memory_space<hbm>> -> memref<8192xf32, #tpu.memory_space<hbm>>
      %dma_start3A_221 = tpu.memref_slice %arg4[%add3A_217] : memref<50331648xf32, #tpu.memory_space<hbm>> -> memref<8192xf32, #tpu.memory_space<hbm>>
      %dma_start3A_222 = arith.constant 8192 : i32
      %dma_start3A_223 = tpu.memref_slice %arg6[%dma_start3A_222] : memref<16384xf32, #tpu.memory_space<vmem>> -> memref<8192xf32, #tpu.memory_space<vmem>>
      tpu.enqueue_dma source(%dma_start3A_223 : memref<8192xf32, #tpu.memory_space<vmem>>) target(%dma_start3A_221 : memref<8192xf32, #tpu.memory_space<hbm>>) target_semaphore(%arg13 : memref<!tpu.dma_semaphore, #tpu.memory_space<semaphore_mem>>)
      %dma_wait3A_224 = arith.constant 0 : i32
      %dma_wait3A_225 = tpu.memref_slice %arg6[%dma_wait3A_224] : memref<16384xf32, #tpu.memory_space<vmem>> -> memref<8192xf32, #tpu.memory_space<vmem>>
      %dma_wait3A_226 = tpu.memref_slice %arg4[%add3A_185] : memref<50331648xf32, #tpu.memory_space<hbm>> -> memref<8192xf32, #tpu.memory_space<hbm>>
      %dma_wait3A_227 = tpu.memref_slice %arg4[%add3A_185] : memref<50331648xf32, #tpu.memory_space<hbm>> -> memref<8192xf32, #tpu.memory_space<hbm>>
      %dma_wait3A_228 = arith.constant 0 : i32
      %dma_wait3A_229 = tpu.memref_slice %arg6[%dma_wait3A_228] : memref<16384xf32, #tpu.memory_space<vmem>> -> memref<8192xf32, #tpu.memory_space<vmem>>
      tpu.wait_dma2 semaphore(%arg13 : memref<!tpu.dma_semaphore, #tpu.memory_space<semaphore_mem>>) src(%dma_wait3A_229 : memref<8192xf32, #tpu.memory_space<vmem>>) dst(%dma_wait3A_227 : memref<8192xf32, #tpu.memory_space<hbm>>)
      %dma_wait3A_230 = arith.constant 8192 : i32
      %dma_wait3A_231 = tpu.memref_slice %arg6[%dma_wait3A_230] : memref<16384xf32, #tpu.memory_space<vmem>> -> memref<8192xf32, #tpu.memory_space<vmem>>
      %dma_wait3A_232 = tpu.memref_slice %arg4[%add3A_217] : memref<50331648xf32, #tpu.memory_space<hbm>> -> memref<8192xf32, #tpu.memory_space<hbm>>
      %dma_wait3A_233 = tpu.memref_slice %arg4[%add3A_217] : memref<50331648xf32, #tpu.memory_space<hbm>> -> memref<8192xf32, #tpu.memory_space<hbm>>
      %dma_wait3A_234 = arith.constant 8192 : i32
      %dma_wait3A_235 = tpu.memref_slice %arg6[%dma_wait3A_234] : memref<16384xf32, #tpu.memory_space<vmem>> -> memref<8192xf32, #tpu.memory_space<vmem>>
      tpu.wait_dma2 semaphore(%arg13 : memref<!tpu.dma_semaphore, #tpu.memory_space<semaphore_mem>>) src(%dma_wait3A_235 : memref<8192xf32, #tpu.memory_space<vmem>>) dst(%dma_wait3A_233 : memref<8192xf32, #tpu.memory_space<hbm>>)
      %barrier3A_236 = arith.constant 0 : index
      tpu.barrier barrier_id(%barrier3A_236)
      %add3A_237 = arith.constant 3 : i32
      %add3A_238 = arith.addi %mul3A_90, %add3A_237 : i32
      %lt3A_239 = arith.constant 32 : i32
      %lt3A_240 = arith.cmpi slt, %add3A_238, %lt3A_239 : i32
      %convert_element_type3A_241 = arith.extui %lt3A_240 : i1 to i32
      %cond3A_242 = arith.constant 0 : i32
      %cond3A_243 = arith.cmpi ne, %convert_element_type3A_241, %cond3A_242 : i32
      scf.if %cond3A_243 {
        %add3A_244 = arith.constant 3 : i32
        %add3A_245 = arith.addi %mul3A_90, %add3A_244 : i32
        %mul3A_246 = arith.constant 32 : i32
        %mul3A_247 = arith.muli %arg0, %mul3A_246 : i32
        %add3A_248 = arith.addi %mul3A_247, %add3A_245 : i32
        %mul3A_249 = arith.constant 786432 : i32
        %mul3A_250 = arith.muli %add3A_248, %mul3A_249 : i32
        %add3A_251 = arith.constant 524288 : i32
        %add3A_252 = arith.addi %mul3A_250, %add3A_251 : i32
        %add3A_253 = arith.addi %add3A_252, %mul3A_0 : i32
        %dma_start3A_254 = tpu.memref_slice %arg8[%mul3A_0] : memref<262144xf32, #tpu.memory_space<vmem_shared>> -> memref<16384xf32, #tpu.memory_space<vmem_shared>>
        %dma_start3A_255 = tpu.memref_slice %arg2[%add3A_253] : memref<50331648xf32, #tpu.memory_space<hbm>> -> memref<16384xf32, #tpu.memory_space<hbm>>
        tpu.enqueue_dma source(%dma_start3A_255 : memref<16384xf32, #tpu.memory_space<hbm>>) target(%dma_start3A_254 : memref<16384xf32, #tpu.memory_space<vmem_shared>>) target_semaphore(%arg10 : memref<!tpu.dma_semaphore, #tpu.memory_space<semaphore_mem>>)
      } else {
      }
    }
    %scan3A_87 = arith.constant 16 : i32
    return
  }
}

</mosaic_0001>

<sc_bundles>
// kernel: kernel.3.cloned.1.call-start
scs
__scs_entry_jumppad:
0x0: {  	(pc) =	sbr.rel $0x88, $3  }
0x1: {  	(tag) =	ssettag $0x0;
	lr =	simm.s32 $0x1  }
0x2: {  	[smem:$0x3F9F] =	sst lr;
	_ =	strace $0xD0000000  }
0x3: {  	_ = 	snop  }
0x4: {  	_ = 	snop  }
0x5: {  	_ = 	snop  }
0x6: {  	_ = 	snop  }
0x7: {  	_ = 	snop  }
__scs_overlays_trampoline_lowered:
0x8: {  	[smem:$0x3FAE] =	sst s0  }
0x9: {  	[smem:$0x3FAF] =	sst s1  }
0xa: {  	[smem:$0x3FB0] =	sst s2  }
0xb: {  	[smem:$0x3FB1] =	sst s3  }
0xc: {  	[smem:$0x3FB2] =	sst s4  }
0xd: {  	[smem:$0x3FB3] =	sst s5  }
0xe: {  	[smem:$0x3FB4] =	sst s6  }
0xf: {  	[smem:$0x3FB5] =	sst s7  }
0x10: {  	[smem:$0x3FB6] =	sst s8  }
0x11: {  	[smem:$0x3FB7] =	sst s9;
	s0 =	simm.s32 @!p0 $0x0  }
0x12: {  	s1 =	sld [smem:$0x3F9D];
	s0 =	simm.s32 @p0 $0x1  }
0x13: {  	[smem:$0x3FB8] =	sst s0;
	s0 =	simm.s32 @!p1 $0x0  }
0x14: {  	s2 =	sld [smem:$0x3F9C];
	s0 =	simm.s32 @p1 $0x1  }
0x15: {  	[smem:$0x3FB9] =	sst s0;
	s0 =	simm.s32 @!p2 $0x0  }
0x16: {  	s3 =	sld [smem:$0x3FDB];
	s0 =	simm.s32 @p2 $0x1  }
0x17: {  	s4 =	simm.s32 $0x1BF5;
	[smem:$0x3FBB] =	sst s0  }
0x18: {  	s0 =	sld [smem:$0x3F9E];
	_ =	swait.ge [sflag:s4], $0x0  }
0x19: {  	s7 =	sld [smem:$0x3F9F]  }
0x1a: {  	s8 =	sadd.s32 $0xFFFFE003, lr  }
0x1b: {  	s9 =	sadd.s32 $0xFFFFFEF7, lr;
	s5 =	simm.s32 $0xFFFFFFFF;
	p2 =	slt.u32 s8, $0xFFFFF086  }
0x1c: {  	p1 =	slt.u32 s9, $0xF7A;
	s5 =	simm.s32 @!p2 $0x0  }
0x1d: {  	s5 =	simm.s32 @p1 $0x1;
	p0 =	seq.s32 s7, s2  }
0x1e: {  	s7 =	smul.u32 @!p0 $0xF7A, s2;
	p2 =	seq.s32 @!p0 s5, $0x0  }
0x1f: {  	s9 =	smul.u32 $0xF7A, s1;
	s8 =	simm.s32 @!p0 $0x1BF5;
	p2 =	por !p2, p0  }
0x20: {  	[sflag:s8] =	ssyncset.s32 @!p0 $0xFFFFF086;
	s6 =	sadd.s32 @!p0 s3, s7;
	s7 =	simm.s32 @!p0 $0x108  }
0x21: {  	s3 =	sadd.s32 s3, s9;
	s6 =	sadd.s32 @!p0 $0x88, s6;
	s7 =	simm.s32 @p2 $0x1082  }
0x22: {  	[simem:s7], [sflag:s8] =	dma.local @!p0 [hbm:s6], $0xF7A  }
0x23: {  	s9 =	sor.u32 $0xD0000000, s2;
	s6 =	simm.s32 $0x108;
	_ =	swait.ge @!p0 [sflag:s8], $0x0  }
0x24: {  	s3 =	sadd.s32 $0x88, s3;
	s6 =	simm.s32 @!p1 $0x1082;
	[sflag:s4] =	ssyncset.s32 $0xFFFFF086  }
0x25: {  	[simem:s6], [sflag:s4] =	dma.local [hbm:s3], $0xF7A  }
0x26: {  	[smem:$0x3F9F] =	sst s1;
	(tag) =	ssettag s2;
	_ =	strace s9  }
0x27: {  	s1 =	sld [smem:$0x3FAF]  }
0x28: {  	s2 =	sld [smem:$0x3FB0]  }
0x29: {  	s4 =	sld [smem:$0x3FB2]  }
0x2a: {  	p0 =	seq.s32 s5, $0x0;
	s5 =	sld [smem:$0x3FB3]  }
0x2b: {  	s6 =	sld [smem:$0x3FB4]  }
0x2c: {  	s7 =	sld [smem:$0x3FB5]  }
0x2d: {  	s3 =	simm.s32 $0x108;
	s8 =	sld [smem:$0x3FB6]  }
0x2e: {  	s3 =	simm.s32 @!p0 $0x1082;
	s9 =	sld [smem:$0x3FB7]  }
0x2f: {  	lr =	sadd.s32 s0, s3;
	s0 =	sld [smem:$0x3FAE]  }
0x30: {  	s3 =	sld [smem:$0x3FB1]  }
0x31: {  	[smem:$0x3FBA] =	sst s10  }
0x32: {  	s10 =	sld [smem:$0x3FB8];
	_ =	sdelay $0x3  }
0x33: {  	p0 =	seq.s32 s10, $0x1;
	s10 =	sld [smem:$0x3FBA];
	_ =	sdelay $0x3  }
0x34: {  	[smem:$0x3FBA] =	sst s10  }
0x35: {  	s10 =	sld [smem:$0x3FB9];
	_ =	sdelay $0x3  }
0x36: {  	p1 =	seq.s32 s10, $0x1;
	s10 =	sld [smem:$0x3FBA];
	_ =	sdelay $0x3  }
0x37: {  	[smem:$0x3FBA] =	sst s10  }
0x38: {  	s10 =	sld [smem:$0x3FBB]  }
0x39: {  	_ = 	snop;
	(pc) =	sbr.ind lr, $3  }
0x3a: {  	_ = 	snop  }
0x3b: {  	_ = 	snop  }
0x3c: {  	p2 =	seq.s32 s10, $0x1;
	s10 =	sld [smem:$0x3FBA]  }
0x3d: {  	_ =	shalt  }
0x3e: {  	_ =	shalt  }
0x3f: {  	_ =	shalt  }
0x40: {  	_ =	shalt  }
0x41: {  	_ =	shalt  }
0x42: {  	_ =	shalt  }
0x43: {  	_ =	shalt  }
0x44: {  	_ =	shalt  }
0x45: {  	_ =	shalt  }
0x46: {  	_ =	shalt  }
0x47: {  	_ =	shalt  }
0x48: {  	_ =	shalt  }
0x49: {  	_ =	shalt  }
0x4a: {  	_ =	shalt  }
0x4b: {  	_ =	shalt  }
0x4c: {  	_ =	shalt  }
0x4d: {  	_ =	shalt  }
0x4e: {  	_ =	shalt  }
0x4f: {  	_ =	shalt  }
0x50: {  	_ =	shalt  }
0x51: {  	_ =	shalt  }
0x52: {  	_ =	shalt  }
0x53: {  	_ =	shalt  }
0x54: {  	_ =	shalt  }
0x55: {  	_ =	shalt  }
0x56: {  	_ =	shalt  }
0x57: {  	_ =	shalt  }
0x58: {  	_ =	shalt  }
0x59: {  	_ =	shalt  }
0x5a: {  	_ =	shalt  }
0x5b: {  	_ =	shalt  }
0x5c: {  	_ =	shalt  }
0x5d: {  	_ =	shalt  }
0x5e: {  	_ =	shalt  }
0x5f: {  	_ =	shalt  }
0x60: {  	_ =	shalt  }
0x61: {  	_ =	shalt  }
0x62: {  	_ =	shalt  }
0x63: {  	_ =	shalt  }
0x64: {  	_ =	shalt  }
0x65: {  	_ =	shalt  }
0x66: {  	_ =	shalt  }
0x67: {  	_ =	shalt  }
0x68: {  	_ =	shalt  }
0x69: {  	_ =	shalt  }
0x6a: {  	_ =	shalt  }
0x6b: {  	_ =	shalt  }
0x6c: {  	_ =	shalt  }
0x6d: {  	_ =	shalt  }
0x6e: {  	_ =	shalt  }
0x6f: {  	_ =	shalt  }
0x70: {  	_ =	shalt  }
0x71: {  	_ =	shalt  }
0x72: {  	_ =	shalt  }
0x73: {  	_ =	shalt  }
0x74: {  	_ =	shalt  }
0x75: {  	_ =	shalt  }
0x76: {  	_ =	shalt  }
0x77: {  	_ =	shalt  }
0x78: {  	_ =	shalt  }
0x79: {  	_ =	shalt  }
0x7a: {  	_ =	shalt  }
0x7b: {  	_ =	shalt  }
0x7c: {  	_ =	shalt  }
0x7d: {  	_ =	shalt  }
0x7e: {  	_ =	shalt  }
0x7f: {  	_ =	shalt  }
0x80: {  	_ =	shalt  }
0x81: {  	_ =	shalt  }
0x82: {  	_ =	shalt  }
0x83: {  	_ =	shalt  }
0x84: {  	_ =	shalt  }
0x85: {  	_ =	shalt  }
0x86: {  	_ =	shalt  }
0x87: {  	_ =	shalt  }
.Lfunc_end0:
.L_simem_size_0:
called_computation.1_lowered:
.L_overlay_start_0:
0x88: {  	s2 =	sld [smem:$0x3FD9]  }
0x89: {  	s3 =	sld [smem:$0x3FFE];
	_ =	sdelay $0x1  }
0x8a: {  	s1 =	srdreg.scid  }
0x8b: {  	s0 =	sand.u32 $0x1, s1  }
0x8c: {  	s17 =	sshll.u32 s0, $0xA;
	s2 =	sadd.s32 s3, s2  }
0x8d: {  	s2 =	sadd.s32 s2, s17  }
0x8e: {  	[smem:$0x3FC6] =	sst s2  }
0x8f: {  	_ = 	snop  }
0x90: {  	s2 =	sld [smem:$0x3FD0];
	(tm) =	ssettm $0x1  }
0x91: {  	s18 =	sld [smem:$0x3FFB];
	_ =	sdelay $0x3  }
0x92: {  	_ =	strace s18  }
0x93: {  	s3 =	sld [smem:$0x3FFC];
	_ =	sdelay $0x3  }
0x94: {  	_ =	strace s3  }
0x95: {  	s3 =	sld [smem:$0x3FFD];
	_ =	sdelay $0x3  }
0x96: {  	_ =	strace s3  }
0x97: {  	_ =	strace $0x8FFFFFFF  }
0x98: {  	s19 =	sld [smem:$0x3FDB];
	_ =	sdelay $0x1  }
0x99: {  	s4 =	simm.s32 $_scs_section_size  }
0x9a: {  	s5 =	simm.s32 $_size__tile_overlayer_lowered;
	s6 =	simm.s32 $_tile_overlayer_lowered  }
0x9b: {  	s22 =	simm.s32 $0x1BFF;
	s21 =	sshll.u32 s6, $0x1;
	s3 =	sadd.s32 s4, s19  }
0x9c: {  	s7 =	simm.s32 $0x0;
	s20 =	sshll.u32 s5, $0x1;
	s5 =	sadd.s32 s21, s3  }
0x9d: {  	[timem:s7], [sflag:s22] =	dma.local [hbm:s5], s20  }
0x9e: {  	_ =	swait.ge [sflag:s22], s20  }
0x9f: {  	s4 =	ssub.s32 $0x0, s20;
	[sflag:s22] =	ssyncset.done $0x0  }
0xa0: {  	[sflag:s22] =	ssyncadd.s32 s4;
	_ =	sdelay $0x1  }
0xa1: {  	s23 =	simm.s32 $0x1B8B  }
0xa2: {  	_ =	swait.ge [sflag:s23], $0x1  }
0xa3: {  	[sflag:s23] =	ssyncset.done $0x0  }
0xa4: {  	s25 =	simm.s32 $0x1B8E;
	s24 =	sld [smem:$0x3FFE];
	[sflag:s23] =	ssyncadd.s32 $0xFFFFFFFF  }
0xa5: {  	s26 =	simm.s32 $execute0_lowered;
	[smem:$0x3FD2] =	sst s25  }
0xa6: {  	s5 =	sshll.u32 s26, $0x1;
	_ =	strace $0x80000049;
	[dreg:$0x1] =	wrdreg $0xFFFFFFFF  }
0xa7: {  	s28 =	simm.s32 $_size_execute0_lowered;
	s3 =	sadd.s32 s3, s5;
	[dreg:$0x0] =	wrdreg $0x0  }
0xa8: {  	s5 =	sshll.u32 s28, $0x1;
	[dreg:$0x2] =	wrdreg s3  }
0xa9: {  	[dreg:$0x3] =	wrdreg s5  }
0xaa: {  	[dreg:$0x4] =	wrdreg $0xC0  }
0xab: {  	_ =	task [dreg:s7], $0x5FFFF  }
0xac: {  	[dreg:$0x1] =	wrdreg $0xFFFFFFFF  }
0xad: {  	[dreg:$0x0] =	wrdreg $0x60  }
0xae: {  	[dreg:$0x2] =	wrdreg s2  }
0xaf: {  	[dreg:$0x3] =	wrdreg s24  }
0xb0: {  	[dreg:$0x4] =	wrdreg $0x80000  }
0xb1: {  	[dreg:$0x5] =	wrdreg $0xC0000  }
0xb2: {  	[dreg:$0x6] =	wrdreg $0x9  }
0xb3: {  	_ =	task.clear_ibuf [dreg:s7], $0x7FFFF;
	_ =	strace $0x90000049  }
0xb4: {  	s29 =	simm.s32 $0x9;
	_ =	strace $0x8000004B  }
0xb5: {  	_ =	swait.ge [sflag:s29], $0x1  }
0xb6: {  	[sflag:s29] =	ssyncadd.s32 $0xFFFFFFFF  }
0xb7: {  	_ =	strace $0x9000004B  }
0xb8: {  	_ =	sfence  }
0xb9: {  	s30 =	sld [smem:$0x0];
	_ =	sdelay $0x2  }
0xba: {  	s31 =	sshll.u32 s1, $0xD;
	s1 =	sshrl.u32 s1, $0x2  }
0xbb: {  	s3 =	sand.u32 $0x4000, s31;
	s1 =	sadd.s32 s1, s30  }
0xbc: {  	s0 =	sor.u32 s3, s0;
	s1 =	sshll.u32 s1, $0x11  }
0xbd: {  	s0 =	sor.u32 s1, s0  }
0xbe: {  	s0 =	sadd.s32 $0x8F2B, s0  }
0xbf: {  	[sflag:s0] =	ssyncadd.remote.s32 $0x1  }
0xc0: {  	_ =	sfence.sel $0xFFFF  }
0xc1: {  	[dreg:$0x0] =	wrdreg $0xFFFFFFFF;
	(pc) =	sbr.abs _section_cstart, $3  }
0xc2: {  	[dreg:$0x1] =	wrdreg $0xFFFFFFFF  }
0xc3: {  	_ =	task.clear_ibuf [dreg:s7], $0x2FFFF;
	_ =	strace $0x9FFFFFFF  }
0xc4: {  	(tm) =	ssettm $0x7FFFFFFF  }
0xc5: {  	_ =	shalt  }
tec
execute0_lowered:
.L_overlay_start_1:
0x0: {  	(tag) =	ssettag $0x1  }
0x1: {  	s1 =	rddreg [dreg:$0x0]  }
0x2: {  	s0 =	rddreg [dreg:$0x1]  }
0x3: {  	s2 =	rddreg [dreg:$0x2]  }
0x4: {  	s3 =	rddreg [dreg:$0x3];
	s5 =	simm.s32 $0x0;
	s4 =	srdreg.scid  }
0x5: {  	s8 =	stileid.u32;
	s31 =	simm.s32 $0x1;
	[smem:$0x7FF] =	sst s5  }
0x6: {  	s4 =	sand.u32 $0x1, s4;
	s6 =	sshll.u32 s8, $0xB;
	s8 =	sshll.u32 s8, $0xE  }
0x7: {  	s12 =	sadd.s32 $0x8000, s1;
	_ =	strace $0x8000004A;
	s7 =	smul.u32 $0x1800000, s4  }
0x8: {  	s6 =	sadd.s32 s6, s0;
	s4 =	ssub.s32 $0x2, s4;
	s0 =	sadd.s32 $0x18A00, s0  }
0x9: {  	s9 =	sshrl.u32 s4, $0x1;
	s24 =	sadd.s32 $0xA00, s6;
	s28 =	sadd.s32 $0x8A00, s6  }
0xa: {  	s6 =	sadd.s32 $0x10A00, s6;
	s10 =	sor.u32 s8, s7;
	[dreg:$0x5] =	wrdreg s24  }
0xb: {  	s4 =	ssub.s32 s4, s9;
	s7 =	sadd.s32 s8, s2;
	[dreg:$0x9] =	wrdreg s28  }
0xc: {  	s8 =	sadd.s32 s8, s3;
	[dreg:$0xb] =	wrdreg s6;
	s9 =	simm.s32 $0x3  }
0xd: {  	s25 =	sshrl.u32 s10, $0x3;
	[dreg:$0x7] =	wrdreg s8;
	s30 =	sor.u32 $0x240000, s10  }
0xe: {  	s4 =	smax.u32 s4, $0x1;
	s13 =	sor.u32 $0xC0000, s10;
	s14 =	sor.u32 $0x180000, s10  }
0xf: {  	s17 =	sor.u32 $0x280000, s10;
	s20 =	sor.u32 $0x100000, s10;
	s21 =	sor.u32 $0x80000, s10  }
0x10: {  	s22 =	sor.u32 $0x140000, s10;
	s24 =	sor.u32 $0x2C0000, s10;
	s11 =	sadd.s32 s1, s25  }
0x11: {  	s29 =	sadd.s32 s25, s12;
	[dreg:$0xc] =	wrdreg s4;
	s8 =	sshrl.u32 s30, $0x3  }
0x12: {  	[dreg:$0xd] =	wrdreg s14;
	s15 =	sshrl.u32 s13, $0x3;
	s18 =	sadd.s32 s25, s0  }
0x13: {  	s4 =	sshrl.u32 s17, $0x3;
	s6 =	sshrl.u32 s20, $0x3;
	s23 =	sshrl.u32 s22, $0x3  }
0x14: {  	s25 =	sor.u32 $0x200000, s10;
	s10 =	simm.s32 $0x4;
	s13 =	simm.s32 $0x2  }
0x15: {  	s14 =	simm.s32 $0x0;
	s26 =	sadd.s32 $0x18000, s11;
	[dreg:$0xa] =	wrdreg s29  }
0x16: {  	s16 =	sadd.s32 s8, s1;
	s19 =	sadd.s32 s15, s0;
	s8 =	sshrl.u32 s21, $0x3  }
0x17: {  	s20 =	sadd.s32 s6, s0;
	s22 =	sadd.s32 s23, s0;
	s23 =	sadd.s32 s4, s1  }
0x18: {  	s28 =	sadd.s32 $0x20000, s11;
	s29 =	sadd.s32 $0x10000, s11;
	[dreg:$0x6] =	wrdreg s11  }
.Ltmp0:
0x19: {  	s30 =	sadd.s32 $0x28000, s11;
	[dreg:$0x8] =	wrdreg s26;
	(pc) =	sbr.rel .LBB2_1-.Ltmp0, $4  }
0x1a: {  	s4 =	simm.s32 $0x4000;
	s6 =	simm.s32 $0x6000;
	[dreg:$0xe] =	wrdreg s28  }
0x1b: {  	s11 =	simm.s32 $0x5;
	s21 =	sadd.s32 s8, s0;
	[dreg:$0xf] =	wrdreg s29  }
0x1c: {  	s0 =	sshrl.u32 s24, $0x3;
	s26 =	sshrl.u32 s25, $0x3;
	[dreg:$0x10] =	wrdreg s30  }
0x1d: {  	s24 =	sadd.s32 s0, s1;
	s25 =	sadd.s32 s26, s1;
	s0 =	simm.s32 $0x2000  }
.LBB2_10:
0x1e: {  	s14 =	sadd.s32 $0x1, s14;
	s8 =	rddreg [dreg:$0xc]  }
0x1f: {  	p0 =	sne.s32 s14, s8  }
.Ltmp1:
0x20: {  	_ = 	snop;
	(pc) =	sbr.rel @!p0 .LBB2_11-.Ltmp1, $1  }
0x21: {  	_ =	sdelay $0x3  }
.LBB2_1:
0x22: {  	s8 =	rddreg [dreg:$0x5];
	s15 =	simm.s32 $0x6  }
0x23: {  	[tilespmem:s5], [sflag:$0x6] =	stream.linear.gather [hbm4b:s8+s5], $0x4000, $0x38;
	[tilespmem:$0x10000] =	vst v63  }
0x24: {  	s28 =	stileid.u32;
	s26 =	sshrl.u32 s7, $0x3;
	_ =	swait.ge [sflag:s15], $0x4000  }
0x25: {  	s8 =	sshll.u32 s28, $0x6;
	[dreg:$0x11] =	wrdreg s26;
	[sflag:s15] =	ssyncset.done $0x0  }
0x26: {  	s17 =	rddreg [dreg:$0x6];
	[sflag:s15] =	ssyncadd.s32 $0xFFFFC000;
	s15 =	sor.u32 $0x1C01, s8  }
0x27: {  	[spmem:s26], [sflag:s15] =	dma.local [hbm:s17], $0x800  }
0x28: {  	s17 =	rddreg [dreg:$0x7]  }
0x29: {  	s8 =	sor.u32 $0x1C02, s8;
	s30 =	rddreg [dreg:$0x8];
	s26 =	sshrl.u32 s17, $0x3  }
0x2a: {  	[spmem:s26], [sflag:s8] =	dma.local [hbm:s30], $0x800  }
0x2b: {  	s17 =	simm.s32 $0x0;
	s29 =	rddreg [dreg:$0xd]  }
.LBB2_2:
0x2c: {  	_ =	swait.ge [sflag:s31], $0x800  }
0x2d: {  	[sflag:s31] =	ssyncset.done $0x0  }
0x2e: {  	[sflag:s31] =	ssyncadd.s32 $0xFFFFF800  }
0x2f: {  	[bflag:$0x0] =	sbarrier.arrive $0xFFFF  }
0x30: {  	[tilespmem:s4], [sflag:$0x3] =	stream.indirect.gather [spmem:s2], $0x1, s5, s0, $0xb8;
	[tilespmem:$0x10000] =	vst v63  }
0x31: {  	_ = 	snop  }
0x32: {  	[tilespmem:s6], [sflag:$0x4] =	stream.indirect.gather [spmem:s2], $0x1, s0, s0, $0xb8;
	[tilespmem:$0x10000] =	vst v63  }
0x33: {  	_ =	swait.ge [sflag:s9], $0x2000  }
0x34: {  	[sflag:s9] =	ssyncset.done $0x0  }
0x35: {  	s30 =	sadd.s32 s17, s18;
	[sflag:s9] =	ssyncadd.s32 $0xFFFFE000  }
0x36: {  	[hbm4b:s30+s5] =	stream.linear.scatter [tilespmem:s4], [sflag:$0x5], $0x2000, $0x38;
	[tilespmem:$0x10000] =	vst v63  }
0x37: {  	_ =	swait.ge [sflag:s10], $0x2000  }
0x38: {  	[sflag:s10] =	ssyncset.done $0x0  }
0x39: {  	s30 =	sadd.s32 $0x400, s30;
	[sflag:s10] =	ssyncadd.s32 $0xFFFFE000  }
0x3a: {  	[hbm4b:s30+s5] =	stream.linear.scatter [tilespmem:s6], [sflag:$0x5], $0x2000, $0x38;
	[tilespmem:$0x10000] =	vst v63  }
0x3b: {  	_ =	swait.ge [sflag:s11], $0x2000  }
0x3c: {  	[sflag:s11] =	ssyncset.done $0x0  }
0x3d: {  	[sflag:s11] =	ssyncadd.s32 $0xFFFFE000  }
0x3e: {  	_ =	swait.ge [sflag:s11], $0x2000  }
0x3f: {  	p0 =	seq.s32 s17, $0x2D0000;
	[sflag:s11] =	ssyncset.done $0x0  }
0x40: {  	s30 =	sshrl.u32 @!p0 s29, $0x3;
	[sflag:s11] =	ssyncadd.s32 $0xFFFFE000  }
0x41: {  	s28 =	sshrl.u32 @!p0 s7, $0x3;
	s30 =	sadd.s32 @!p0 s1, s30;
	[bflag:$0x0] =	sbarrier.arrive $0xFFFF  }
0x42: {  	[spmem:s28], [sflag:s15] =	dma.local @!p0 [hbm:s30], $0x800  }
0x43: {  	_ =	swait.ge [sflag:s13], $0x800  }
0x44: {  	[sflag:s13] =	ssyncset.done $0x0  }
0x45: {  	[sflag:s13] =	ssyncadd.s32 $0xFFFFF800  }
0x46: {  	[bflag:$0x0] =	sbarrier.arrive $0xFFFF  }
0x47: {  	[tilespmem:s4], [sflag:$0x3] =	stream.indirect.gather [spmem:s3], $0x1, s5, s0, $0xb8;
	[tilespmem:$0x10000] =	vst v63  }
0x48: {  	_ = 	snop  }
0x49: {  	[tilespmem:s6], [sflag:$0x4] =	stream.indirect.gather [spmem:s3], $0x1, s0, s0, $0xb8;
	[tilespmem:$0x10000] =	vst v63  }
0x4a: {  	_ =	swait.ge [sflag:s9], $0x2000  }
0x4b: {  	[sflag:s9] =	ssyncset.done $0x0  }
0x4c: {  	s30 =	sadd.s32 s17, s19;
	[sflag:s9] =	ssyncadd.s32 $0xFFFFE000  }
0x4d: {  	[hbm4b:s30+s5] =	stream.linear.scatter [tilespmem:s4], [sflag:$0x5], $0x2000, $0x38;
	[tilespmem:$0x10000] =	vst v63  }
0x4e: {  	_ =	swait.ge [sflag:s10], $0x2000  }
0x4f: {  	[sflag:s10] =	ssyncset.done $0x0  }
0x50: {  	s28 =	sadd.s32 $0x400, s30;
	[sflag:s10] =	ssyncadd.s32 $0xFFFFE000  }
0x51: {  	[hbm4b:s28+s5] =	stream.linear.scatter [tilespmem:s6], [sflag:$0x5], $0x2000, $0x38;
	[tilespmem:$0x10000] =	vst v63  }
0x52: {  	_ =	swait.ge [sflag:s11], $0x2000  }
0x53: {  	[sflag:s11] =	ssyncset.done $0x0  }
0x54: {  	[sflag:s11] =	ssyncadd.s32 $0xFFFFE000  }
.Ltmp2:
0x55: {  	_ =	swait.ge [sflag:s11], $0x2000;
	(pc) =	sbr.rel @p0 .LBB2_4-.Ltmp2, $3  }
0x56: {  	[sflag:s11] =	ssyncset.done $0x0  }
0x57: {  	[sflag:s11] =	ssyncadd.s32 $0xFFFFE000  }
0x58: {  	[bflag:$0x0] =	sbarrier.arrive $0xFFFF;
	_ =	sdelay $0x1  }
.Ltmp3:
0x59: {  	(pc) =	sbr.rel .LBB2_2-.Ltmp3, $3  }
0x5a: {  	_ =	sdelay $0x1  }
0x5b: {  	s28 =	sadd.s32 s17, s16;
	s17 =	sadd.s32 $0x30000, s17;
	s29 =	sadd.s32 $0x180000, s29  }
0x5c: {  	[spmem:s26], [sflag:s8] =	dma.local [hbm:s28], $0x800  }
.LBB2_4:
0x5d: {  	s29 =	simm.s32 $0x0;
	s17 =	rddreg [dreg:$0x9];
	s28 =	simm.s32 $0x6  }
0x5e: {  	[tilespmem:s29], [sflag:$0x6] =	stream.linear.gather [hbm4b:s17+s29], $0x4000, $0x38;
	[tilespmem:$0x10000] =	vst v63  }
0x5f: {  	_ =	swait.ge [sflag:s28], $0x4000  }
0x60: {  	[sflag:s28] =	ssyncset.done $0x0;
	s30 =	rddreg [dreg:$0xa]  }
0x61: {  	[sflag:s28] =	ssyncadd.s32 $0xFFFFC000;
	s28 =	rddreg [dreg:$0x11]  }
0x62: {  	[spmem:s28], [sflag:s15] =	dma.local [hbm:s30], $0x800  }
0x63: {  	s17 =	rddreg [dreg:$0xe]  }
0x64: {  	[spmem:s26], [sflag:s8] =	dma.local [hbm:s17], $0x800  }
0x65: {  	s17 =	rddreg [dreg:$0xd]  }
.LBB2_5:
0x66: {  	_ =	swait.ge [sflag:s31], $0x800  }
0x67: {  	[sflag:s31] =	ssyncset.done $0x0  }
0x68: {  	[sflag:s31] =	ssyncadd.s32 $0xFFFFF800  }
0x69: {  	[bflag:$0x0] =	sbarrier.arrive $0xFFFF  }
0x6a: {  	[tilespmem:s4], [sflag:$0x3] =	stream.indirect.gather [spmem:s2], $0x1, s5, s0, $0xb8;
	[tilespmem:$0x10000] =	vst v63  }
0x6b: {  	_ = 	snop  }
0x6c: {  	[tilespmem:s6], [sflag:$0x4] =	stream.indirect.gather [spmem:s2], $0x1, s0, s0, $0xb8;
	[tilespmem:$0x10000] =	vst v63  }
0x6d: {  	_ =	swait.ge [sflag:s9], $0x2000  }
0x6e: {  	s28 =	sadd.s32 s29, s18;
	[sflag:s9] =	ssyncset.done $0x0  }
0x6f: {  	s30 =	sadd.s32 $0x8000, s28;
	[sflag:s9] =	ssyncadd.s32 $0xFFFFE000  }
0x70: {  	[hbm4b:s30+s5] =	stream.linear.scatter [tilespmem:s4], [sflag:$0x5], $0x2000, $0x38;
	[tilespmem:$0x10000] =	vst v63  }
0x71: {  	_ =	swait.ge [sflag:s10], $0x2000  }
0x72: {  	[sflag:s10] =	ssyncset.done $0x0  }
0x73: {  	s28 =	sadd.s32 $0x8400, s28;
	[sflag:s10] =	ssyncadd.s32 $0xFFFFE000  }
0x74: {  	[hbm4b:s28+s5] =	stream.linear.scatter [tilespmem:s6], [sflag:$0x5], $0x2000, $0x38;
	[tilespmem:$0x10000] =	vst v63  }
0x75: {  	_ =	swait.ge [sflag:s11], $0x2000  }
0x76: {  	[sflag:s11] =	ssyncset.done $0x0  }
0x77: {  	[sflag:s11] =	ssyncadd.s32 $0xFFFFE000  }
0x78: {  	_ =	swait.ge [sflag:s11], $0x2000  }
0x79: {  	p0 =	seq.s32 s29, $0x2D0000;
	[sflag:s11] =	ssyncset.done $0x0  }
0x7a: {  	s28 =	sshrl.u32 @!p0 s17, $0x3;
	[sflag:s11] =	ssyncadd.s32 $0xFFFFE000  }
0x7b: {  	s30 =	sshrl.u32 @!p0 s7, $0x3;
	s28 =	sadd.s32 @!p0 s28, s12;
	[bflag:$0x0] =	sbarrier.arrive $0xFFFF  }
0x7c: {  	[spmem:s30], [sflag:s15] =	dma.local @!p0 [hbm:s28], $0x800  }
0x7d: {  	_ =	swait.ge [sflag:s13], $0x800  }
0x7e: {  	[sflag:s13] =	ssyncset.done $0x0  }
0x7f: {  	[sflag:s13] =	ssyncadd.s32 $0xFFFFF800  }
0x80: {  	[bflag:$0x0] =	sbarrier.arrive $0xFFFF  }
0x81: {  	[tilespmem:s4], [sflag:$0x3] =	stream.indirect.gather [spmem:s3], $0x1, s5, s0, $0xb8;
	[tilespmem:$0x10000] =	vst v63  }
0x82: {  	_ = 	snop  }
0x83: {  	[tilespmem:s6], [sflag:$0x4] =	stream.indirect.gather [spmem:s3], $0x1, s0, s0, $0xb8;
	[tilespmem:$0x10000] =	vst v63  }
0x84: {  	_ =	swait.ge [sflag:s9], $0x2000  }
0x85: {  	[sflag:s9] =	ssyncset.done $0x0  }
0x86: {  	s30 =	sadd.s32 s29, s20;
	[sflag:s9] =	ssyncadd.s32 $0xFFFFE000  }
0x87: {  	[hbm4b:s30+s5] =	stream.linear.scatter [tilespmem:s4], [sflag:$0x5], $0x2000, $0x38;
	[tilespmem:$0x10000] =	vst v63  }
0x88: {  	_ =	swait.ge [sflag:s10], $0x2000  }
0x89: {  	[sflag:s10] =	ssyncset.done $0x0  }
0x8a: {  	s28 =	sadd.s32 $0x400, s30;
	[sflag:s10] =	ssyncadd.s32 $0xFFFFE000  }
0x8b: {  	[hbm4b:s28+s5] =	stream.linear.scatter [tilespmem:s6], [sflag:$0x5], $0x2000, $0x38;
	[tilespmem:$0x10000] =	vst v63  }
0x8c: {  	_ =	swait.ge [sflag:s11], $0x2000  }
0x8d: {  	[sflag:s11] =	ssyncset.done $0x0  }
0x8e: {  	[sflag:s11] =	ssyncadd.s32 $0xFFFFE000  }
.Ltmp4:
0x8f: {  	_ =	swait.ge [sflag:s11], $0x2000;
	(pc) =	sbr.rel @p0 .LBB2_7-.Ltmp4, $3  }
0x90: {  	[sflag:s11] =	ssyncset.done $0x0  }
0x91: {  	[sflag:s11] =	ssyncadd.s32 $0xFFFFE000  }
0x92: {  	[bflag:$0x0] =	sbarrier.arrive $0xFFFF;
	_ =	sdelay $0x1  }
.Ltmp5:
0x93: {  	(pc) =	sbr.rel .LBB2_5-.Ltmp5, $3  }
0x94: {  	_ =	sdelay $0x1  }
0x95: {  	s28 =	sadd.s32 s29, s23;
	s29 =	sadd.s32 $0x30000, s29;
	s17 =	sadd.s32 $0x180000, s17  }
0x96: {  	[spmem:s26], [sflag:s8] =	dma.local [hbm:s28], $0x800  }
.LBB2_7:
0x97: {  	s29 =	simm.s32 $0x0;
	s17 =	rddreg [dreg:$0xb];
	s28 =	simm.s32 $0x6  }
0x98: {  	[tilespmem:s29], [sflag:$0x6] =	stream.linear.gather [hbm4b:s17+s29], $0x4000, $0x38;
	[tilespmem:$0x10000] =	vst v63  }
0x99: {  	_ =	swait.ge [sflag:s28], $0x4000  }
0x9a: {  	[sflag:s28] =	ssyncset.done $0x0;
	s30 =	rddreg [dreg:$0xf]  }
0x9b: {  	[sflag:s28] =	ssyncadd.s32 $0xFFFFC000;
	s28 =	rddreg [dreg:$0x11]  }
0x9c: {  	[spmem:s28], [sflag:s15] =	dma.local [hbm:s30], $0x800  }
0x9d: {  	s17 =	rddreg [dreg:$0x10]  }
0x9e: {  	[spmem:s26], [sflag:s8] =	dma.local [hbm:s17], $0x800  }
.LBB2_8:
0x9f: {  	_ =	swait.ge [sflag:s31], $0x800  }
0xa0: {  	[sflag:s31] =	ssyncset.done $0x0  }
0xa1: {  	[sflag:s31] =	ssyncadd.s32 $0xFFFFF800  }
0xa2: {  	[bflag:$0x0] =	sbarrier.arrive $0xFFFF  }
0xa3: {  	[tilespmem:s4], [sflag:$0x3] =	stream.indirect.gather [spmem:s2], $0x1, s5, s0, $0xb8;
	[tilespmem:$0x10000] =	vst v63  }
0xa4: {  	_ = 	snop  }
0xa5: {  	[tilespmem:s6], [sflag:$0x4] =	stream.indirect.gather [spmem:s2], $0x1, s0, s0, $0xb8;
	[tilespmem:$0x10000] =	vst v63  }
0xa6: {  	_ =	swait.ge [sflag:s9], $0x2000  }
0xa7: {  	[sflag:s9] =	ssyncset.done $0x0  }
0xa8: {  	s17 =	sadd.s32 s29, s21;
	[sflag:s9] =	ssyncadd.s32 $0xFFFFE000  }
0xa9: {  	[hbm4b:s17+s5] =	stream.linear.scatter [tilespmem:s4], [sflag:$0x5], $0x2000, $0x38;
	[tilespmem:$0x10000] =	vst v63  }
0xaa: {  	_ =	swait.ge [sflag:s10], $0x2000  }
0xab: {  	[sflag:s10] =	ssyncset.done $0x0  }
0xac: {  	s17 =	sadd.s32 $0x400, s17;
	[sflag:s10] =	ssyncadd.s32 $0xFFFFE000  }
0xad: {  	[hbm4b:s17+s5] =	stream.linear.scatter [tilespmem:s6], [sflag:$0x5], $0x2000, $0x38;
	[tilespmem:$0x10000] =	vst v63  }
0xae: {  	_ =	swait.ge [sflag:s11], $0x2000  }
0xaf: {  	[sflag:s11] =	ssyncset.done $0x0  }
0xb0: {  	[sflag:s11] =	ssyncadd.s32 $0xFFFFE000  }
0xb1: {  	_ =	swait.ge [sflag:s11], $0x2000  }
0xb2: {  	[sflag:s11] =	ssyncset.done $0x0  }
0xb3: {  	p0 =	seq.s32 s29, $0x2D0000;
	[sflag:s11] =	ssyncadd.s32 $0xFFFFE000  }
0xb4: {  	s28 =	sshrl.u32 @!p0 s7, $0x3;
	s17 =	sadd.s32 @!p0 s29, s25;
	[bflag:$0x0] =	sbarrier.arrive $0xFFFF  }
0xb5: {  	[spmem:s28], [sflag:s15] =	dma.local @!p0 [hbm:s17], $0x800  }
0xb6: {  	_ =	swait.ge [sflag:s13], $0x800  }
0xb7: {  	[sflag:s13] =	ssyncset.done $0x0  }
0xb8: {  	[sflag:s13] =	ssyncadd.s32 $0xFFFFF800  }
0xb9: {  	[bflag:$0x0] =	sbarrier.arrive $0xFFFF  }
0xba: {  	[tilespmem:s4], [sflag:$0x3] =	stream.indirect.gather [spmem:s3], $0x1, s5, s0, $0xb8;
	[tilespmem:$0x10000] =	vst v63  }
0xbb: {  	_ = 	snop  }
0xbc: {  	[tilespmem:s6], [sflag:$0x4] =	stream.indirect.gather [spmem:s3], $0x1, s0, s0, $0xb8;
	[tilespmem:$0x10000] =	vst v63  }
0xbd: {  	_ =	swait.ge [sflag:s9], $0x2000  }
0xbe: {  	[sflag:s9] =	ssyncset.done $0x0  }
0xbf: {  	s30 =	sadd.s32 s29, s22;
	[sflag:s9] =	ssyncadd.s32 $0xFFFFE000  }
0xc0: {  	[hbm4b:s30+s5] =	stream.linear.scatter [tilespmem:s4], [sflag:$0x5], $0x2000, $0x38;
	[tilespmem:$0x10000] =	vst v63  }
0xc1: {  	_ =	swait.ge [sflag:s10], $0x2000  }
0xc2: {  	[sflag:s10] =	ssyncset.done $0x0  }
0xc3: {  	s17 =	sadd.s32 $0x400, s30;
	[sflag:s10] =	ssyncadd.s32 $0xFFFFE000  }
0xc4: {  	[hbm4b:s17+s5] =	stream.linear.scatter [tilespmem:s6], [sflag:$0x5], $0x2000, $0x38;
	[tilespmem:$0x10000] =	vst v63  }
0xc5: {  	_ =	swait.ge [sflag:s11], $0x2000  }
0xc6: {  	[sflag:s11] =	ssyncset.done $0x0  }
0xc7: {  	[sflag:s11] =	ssyncadd.s32 $0xFFFFE000  }
.Ltmp6:
0xc8: {  	_ =	swait.ge [sflag:s11], $0x2000;
	(pc) =	sbr.rel @p0 .LBB2_10-.Ltmp6, $3  }
0xc9: {  	[sflag:s11] =	ssyncset.done $0x0  }
0xca: {  	[sflag:s11] =	ssyncadd.s32 $0xFFFFE000  }
0xcb: {  	[bflag:$0x0] =	sbarrier.arrive $0xFFFF;
	_ =	sdelay $0x1  }
.Ltmp7:
0xcc: {  	(pc) =	sbr.rel .LBB2_8-.Ltmp7, $3  }
0xcd: {  	_ =	sdelay $0x1  }
0xce: {  	s17 =	sadd.s32 s29, s24;
	s29 =	sadd.s32 $0x30000, s29  }
0xcf: {  	[spmem:s26], [sflag:s8] =	dma.local [hbm:s17], $0x800  }
.LBB2_11:
0xd0: {  	_ =	sfence.sel $0x180000  }
0xd1: {  	[bflag:$0x0] =	sbarrier.arrive $0xFFFF  }
0xd2: {  	_ =	strace $0x9000004A  }
0xd3: {  	s0 =	stileid.u32;
	[bflag:$0x2] =	sbarrier.arrive $0xFFFF  }
0xd4: {  	p0 =	sne.s32 s0, $0x0;
	s0 =	rddreg [dreg:$0x4]  }
0xd5: {  	s0 =	sadd.s32 @!p0 $0x100000, s0  }
0xd6: {  	[sflag:s0] =	ssyncadd.tile.s32 @!p0 $0x1;
	_ =	shalt  }
.Lfunc_end2:
_tile_overlayer_lowered:
.L_overlay_start_2:
0xd7: {  	(tag) =	ssettag $0x2  }
0xd8: {  	s0 =	rddreg [dreg:$0x0];
	s2 =	stileid.u32  }
0xd9: {  	s1 =	rddreg [dreg:$0x1];
	p0 =	sne.s32 s2, $0x0  }
0xda: {  	s3 =	rddreg [dreg:$0x2];
	[bflag:$0x3] =	sbarrier.arrive $0xFFFF;
	s2 =	simm.s32 @!p0 $0x1C06  }
0xdb: {  	[timem:s3], [sflag:s2] =	dma.local @!p0 [hbm:s0], s1  }
0xdc: {  	s0 =	simm.s32 @!p0 $0x6  }
0xdd: {  	_ =	swait.ge @!p0 [sflag:s0], s1  }
0xde: {  	s1 =	ssub.s32 @!p0 $0x0, s1;
	[sflag:s0] =	ssyncset.done @!p0 $0x0  }
0xdf: {  	[sflag:s0] =	ssyncadd.s32 @!p0 s1  }
0xe0: {  	[bflag:$0x3] =	sbarrier.arrive $0xFFFF  }
0xe1: {  	_ =	shalt  }

// kernel: sparse-core-data-format-call.cloned.1.call-start
scs
called_computation_lowered:
.L_overlay_start_0:
0x0: {  	s2 =	sld [smem:$0x3FD9]  }
0x1: {  	s3 =	sld [smem:$0x3FFE];
	_ =	sdelay $0x1  }
0x2: {  	s1 =	srdreg.scid  }
0x3: {  	s0 =	sand.u32 $0x1, s1  }
0x4: {  	s19 =	sshll.u32 s0, $0xA;
	s2 =	sadd.s32 s3, s2  }
0x5: {  	s2 =	sadd.s32 s2, s19  }
0x6: {  	[smem:$0x3FC6] =	sst s2  }
0x7: {  	_ = 	snop  }
0x8: {  	s2 =	sld [smem:$0x3FC9]  }
0x9: {  	s20 =	sld [smem:$0x3FD0];
	(tm) =	ssettm $0x1  }
0xa: {  	s4 =	sld [smem:$0x3FFB];
	_ =	sdelay $0x3  }
0xb: {  	_ =	strace s4  }
0xc: {  	s4 =	sld [smem:$0x3FFC];
	_ =	sdelay $0x3  }
0xd: {  	_ =	strace s4  }
0xe: {  	s4 =	sld [smem:$0x3FFD];
	_ =	sdelay $0x3  }
0xf: {  	_ =	strace s4  }
0x10: {  	_ =	strace $0x8FFFFFFF  }
0x11: {  	s21 =	sld [smem:$0x3FDB];
	_ =	sdelay $0x1  }
0x12: {  	s5 =	simm.s32 $_scs_section_size  }
0x13: {  	s6 =	simm.s32 $_size__tile_overlayer_lowered;
	s7 =	simm.s32 $_tile_overlayer_lowered  }
0x14: {  	s24 =	simm.s32 $0x1BFF;
	s23 =	sshll.u32 s7, $0x1;
	s4 =	sadd.s32 s5, s21  }
0x15: {  	s8 =	simm.s32 $0x0;
	s22 =	sshll.u32 s6, $0x1;
	s6 =	sadd.s32 s23, s4  }
0x16: {  	[timem:s8], [sflag:s24] =	dma.local [hbm:s6], s22  }
0x17: {  	_ =	swait.ge [sflag:s24], s22  }
0x18: {  	s5 =	ssub.s32 $0x0, s22;
	[sflag:s24] =	ssyncset.done $0x0  }
0x19: {  	[sflag:s24] =	ssyncadd.s32 s5;
	_ =	sdelay $0x1  }
0x1a: {  	s25 =	simm.s32 $0x1B8B  }
0x1b: {  	_ =	swait.ge [sflag:s25], $0x1  }
0x1c: {  	[sflag:s25] =	ssyncset.done $0x0  }
0x1d: {  	s26 =	simm.s32 $0x1B8E;
	[sflag:s25] =	ssyncadd.s32 $0xFFFFFFFF  }
0x1e: {  	s27 =	simm.s32 $execute0_lowered;
	[smem:$0x3FD2] =	sst s26  }
0x1f: {  	s5 =	sshll.u32 s27, $0x1;
	_ =	strace $0x80000046;
	[dreg:$0x1] =	wrdreg $0xFFFFFFFF  }
0x20: {  	s28 =	simm.s32 $_size_execute0_lowered;
	s4 =	sadd.s32 s4, s5;
	[dreg:$0x0] =	wrdreg $0x0  }
0x21: {  	s5 =	sshll.u32 s28, $0x1;
	[dreg:$0x2] =	wrdreg s4  }
0x22: {  	[dreg:$0x3] =	wrdreg s5  }
0x23: {  	[dreg:$0x4] =	wrdreg $0xC0  }
0x24: {  	_ =	task [dreg:s8], $0x5FFFF  }
0x25: {  	[dreg:$0x1] =	wrdreg $0xFFFFFFFF  }
0x26: {  	[dreg:$0x0] =	wrdreg $0x60  }
0x27: {  	[dreg:$0x2] =	wrdreg s2  }
0x28: {  	[dreg:$0x3] =	wrdreg s20  }
0x29: {  	[dreg:$0x4] =	wrdreg $0x9  }
0x2a: {  	_ =	task.clear_ibuf [dreg:s8], $0x5FFFF;
	_ =	strace $0x90000046  }
0x2b: {  	s29 =	simm.s32 $0x9;
	_ =	strace $0x80000048  }
0x2c: {  	_ =	swait.ge [sflag:s29], $0x1  }
0x2d: {  	[sflag:s29] =	ssyncadd.s32 $0xFFFFFFFF  }
0x2e: {  	_ =	strace $0x90000048  }
0x2f: {  	_ =	sfence  }
0x30: {  	s30 =	sld [smem:$0x0];
	_ =	sdelay $0x2  }
0x31: {  	s31 =	sshll.u32 s1, $0xD;
	s1 =	sshrl.u32 s1, $0x2  }
0x32: {  	s3 =	sand.u32 $0x4000, s31;
	s1 =	sadd.s32 s1, s30  }
0x33: {  	s0 =	sor.u32 s3, s0;
	s1 =	sshll.u32 s1, $0x11  }
0x34: {  	s0 =	sor.u32 s1, s0  }
0x35: {  	s0 =	sadd.s32 $0x8F2B, s0  }
0x36: {  	[sflag:s0] =	ssyncadd.remote.s32 $0x1  }
0x37: {  	_ =	sfence.sel $0xFFFF  }
0x38: {  	[dreg:$0x0] =	wrdreg $0xFFFFFFFF;
	(pc) =	sbr.abs _section_cstart, $3  }
0x39: {  	[dreg:$0x1] =	wrdreg $0xFFFFFFFF  }
0x3a: {  	_ =	task.clear_ibuf [dreg:s8], $0x2FFFF;
	_ =	strace $0x9FFFFFFF  }
0x3b: {  	(tm) =	ssettm $0x7FFFFFFF  }
tec
execute0_lowered:
.L_overlay_start_1:
0x0: {  	(tag) =	ssettag $0x1  }
0x1: {  	s0 =	srdreg.scid  }
0x2: {  	s1 =	sshll.u32 s0, $0x4  }
0x3: {  	s2 =	rddreg [dreg:$0x0];
	s0 =	stileid.u32;
	s1 =	sand.u32 $0x10, s1  }
0x4: {  	s4 =	rddreg [dreg:$0x1];
	s1 =	sor.u32 s0, s1  }
0x5: {  	s7 =	simm.s32 $0x1;
	s8 =	simm.s32 $0x2;
	s3 =	sshll.u32 s1, $0x2  }
0x6: {  	s9 =	simm.s32 $0x0;
	s12 =	simm.s32 $0x0;
	s6 =	ssub.s32 $0x3000, s3  }
.Ltmp0:
0x7: {  	s11 =	simm.s32 $0x0;
	s5 =	sand.u32 $0x7C, s6;
	(pc) =	sbr.rel .LBB1_1-.Ltmp0, $4  }
0x8: {  	s1 =	rddreg [dreg:$0x2];
	_ =	strace $0x80000047;
	p0 =	sne.s32 s5, $0x0  }
0x9: {  	s6 =	sshrl.u32 s6, $0x7;
	s5 =	simm.s32 $0x1;
	s7 =	simm.s32 @!p0 $0x0  }
0xa: {  	s10 =	smov.u32 s3;
	[sflag:s5] =	ssyncpa.u1 $0x0;
	s6 =	sadd.s32 s7, s6  }
0xb: {  	[sflag:s8] =	ssyncpa.u1 $0x0;
	s8 =	simm.s32 $0x0;
	s7 =	sadd.s32 $0x1, s6  }
.LBB1_9:
0xc: {  	s14 =	sadd.s32 $0x80, s10  }
0xd: {  	p1 =	sgt.s32 s14, $0x2FFF  }
0xe: {  	s14 =	smov.u32 @p1 s3;
	p1 =	sne.s32 s11, s7  }
.Ltmp1:
0xf: {  	p0 =	slt.u32 s11, $0x2;
	(pc) =	sbr.rel @!p1 .LBB1_10-.Ltmp1, $4  }
0x10: {  	s13 =	simm.s32 @!p0 $0x2  }
0x11: {  	s15 =	sadd.s32 $0x1, s11;
	_ =	swait.ge @!p0 [sflag:s13], $0x4000  }
0x12: {  	s12 =	smov.u32 s10;
	s9 =	sadd.s32 $0x4000, s9;
	[sflag:s13] =	ssyncset.done @!p0 $0x0  }
0x13: {  	s11 =	smov.u32 s15;
	s10 =	smov.u32 s14;
	[sflag:s13] =	ssyncadd.s32 @!p0 $0xFFFFC000  }
.LBB1_1:
0x14: {  	p0 =	sge.u32 s11, s6  }
0x15: {  	s13 =	sxor.u32 @!p0 $0xFFFFFFFF, s11  }
0x16: {  	s31 =	sadd.s32 $0xFFFFFFFF, s11;
	s14 =	sshll.u32 @!p0 s10, $0x9;
	s13 =	sshll.u32 @!p0 s13, $0xE  }
0x17: {  	s15 =	simm.s32 @!p0 $0x0;
	s14 =	sadd.s32 @!p0 s2, s14;
	s13 =	sand.u32 @!p0 $0x4000, s13  }
0x18: {  	[tilespmem:s13], [sflag:$0x1] =	stream.linear.gather @!p0 [hbm4b:s14+s15], $0x4000, $0x38;
	[tilespmem:$0x10000] =	vst v63  }
0x19: {  	p0 =	sge.u32 s31, s6  }
.Ltmp2:
0x1a: {  	_ = 	snop;
	(pc) =	sbr.rel @p0 .LBB1_9-.Ltmp2, $1  }
0x1b: {  	_ =	sdelay $0x3  }
0x1c: {  	s14 =	sand.u32 $0x4000, s9  }
0x1d: {  	_ =	swait.ge [sflag:s5], $0x4000;
	s15 =	sshll.u32 s11, $0xE;
	s16 =	simm.s32 $0x0  }
0x1e: {  	s13 =	sor.u32 $0x40, s14;
	[sflag:s5] =	ssyncset.done $0x0;
	s15 =	sand.u32 $0x4000, s15  }
0x1f: {  	s14 =	sor.u32 $0x8040, s14;
	[sflag:s5] =	ssyncadd.s32 $0xFFFFC000;
	s15 =	sor.u32 $0x8000, s15  }
.LBB1_3:
0x20: {  	s17 =	smov.u32 s14;
	s18 =	smov.u32 s13;
	s19 =	simm.s32 $0x0  }
.LBB1_4:
0x21: {  	v0 =	vmov s17;
	v2 =	vld [tilespmem:s18+$0x30]  }
0x22: {  	v4 =	vld [tilespmem:s18+$0xFFFFFFD0]  }
0x23: {  	v6 =	vld [tilespmem:s18+$0xFFFFFFE0]  }
0x24: {  	v7 =	vld [tilespmem:s18+$0xFFFFFFF0]  }
0x25: {  	s20 =	simm.s32 $0x0;
	v1 =	vld [tilespmem:s18+$0x0]  }
0x26: {  	v3 =	vld [tilespmem:s18+$0x10];
	[tilespmem:v0+s20+$0x30 ss:$0x1] =	vst.idx.msk $0xffff, v2  }
0x27: {  	v5 =	vld [tilespmem:s18+$0x20];
	[tilespmem:v0+s20+$0xFFFFFFD0 ss:$0x1] =	vst.idx.msk $0xffff, v4  }
0x28: {  	s21 =	sadd.s32 $0x80, s18;
	v2 =	vld [tilespmem:s18+$0xFFFFFFC0];
	[tilespmem:v0+s20+$0xFFFFFFE0 ss:$0x1] =	vst.idx.msk $0xffff, v6  }
0x29: {  	s22 =	simm.s32 $0x800;
	s23 =	simm.s32 $0x1000;
	v4 =	vld [tilespmem:s21+$0x30];
	[tilespmem:v0+s20+$0xFFFFFFF0 ss:$0x1] =	vst.idx.msk $0xffff, v7  }
.LBB1_5:
0x2a: {  	p0 =	sne.s32 s23, $0x3800;
	v6 =	vld [tilespmem:s21+$0xFFFFFFD0];
	[tilespmem:v0+s20+$0x0 ss:$0x1] =	vst.idx.msk $0xffff, v1  }
0x2b: {  	v7 =	vld [tilespmem:s21+$0xFFFFFFE0];
	[tilespmem:v0+s20+$0x10 ss:$0x1] =	vst.idx.msk $0xffff, v3  }
0x2c: {  	v8 =	vld [tilespmem:s21+$0xFFFFFFF0];
	[tilespmem:v0+s20+$0x20 ss:$0x1] =	vst.idx.msk $0xffff, v5  }
.Ltmp3:
0x2d: {  	v1 =	vld [tilespmem:s21+$0x0];
	[tilespmem:v0+s20+$0xFFFFFFC0 ss:$0x1] =	vst.idx.msk $0xffff, v2;
	s20 =	sshra.s32 s22, $0x2;
	s22 =	smov.u32 s23;
	(pc) =	sbr.rel @p0 .LBB1_5-.Ltmp3, $4  }
0x2e: {  	v3 =	vld [tilespmem:s21+$0x10];
	[tilespmem:v0+s20+$0x30 ss:$0x1] =	vst.idx.msk $0xffff, v4  }
0x2f: {  	[tilespmem:v0+s20+$0xFFFFFFD0 ss:$0x1] =	vst.idx.msk $0xffff, v6;
	v5 =	vld [tilespmem:s21+$0x20]  }
0x30: {  	v2 =	vld [tilespmem:s21+$0xFFFFFFC0];
	[tilespmem:v0+s20+$0xFFFFFFE0 ss:$0x1] =	vst.idx.msk $0xffff, v7;
	s21 =	sadd.s32 $0x80, s21  }
0x31: {  	s23 =	sadd.s32 $0x800, s23;
	v4 =	vld [tilespmem:s21+$0x30];
	[tilespmem:v0+s20+$0xFFFFFFF0 ss:$0x1] =	vst.idx.msk $0xffff, v8  }
0x32: {  	_ =	sdelay $0x3  }
0x33: {  	v6 =	vld [tilespmem:s21+$0xFFFFFFD0];
	[tilespmem:v0+s20+$0x0 ss:$0x1] =	vst.idx.msk $0xffff, v1  }
0x34: {  	v58 =	vld [tilespmem:s21+$0xFFFFFFE0];
	[tilespmem:v0+s20+$0x10 ss:$0x1] =	vst.idx.msk $0xffff, v3  }
0x35: {  	v59 =	vld [tilespmem:s21+$0xFFFFFFF0];
	[tilespmem:v0+s20+$0x20 ss:$0x1] =	vst.idx.msk $0xffff, v5  }
0x36: {  	s22 =	sshra.s32 s22, $0x2;
	v60 =	vld [tilespmem:s21+$0x0];
	[tilespmem:v0+s20+$0xFFFFFFC0 ss:$0x1] =	vst.idx.msk $0xffff, v2  }
0x37: {  	v61 =	vld [tilespmem:s21+$0x10];
	[tilespmem:v0+s22+$0x30 ss:$0x1] =	vst.idx.msk $0xffff, v4  }
0x38: {  	v62 =	vld [tilespmem:s21+$0x20];
	s19 =	sadd.s32 $0x1, s19;
	[tilespmem:v0+s22+$0xFFFFFFD0 ss:$0x1] =	vst.idx.msk $0xffff, v6  }
0x39: {  	v63 =	vld [tilespmem:s21+$0xFFFFFFC0];
	p0 =	sne.s32 s19, $0x4;
	[tilespmem:v0+s22+$0xFFFFFFE0 ss:$0x1] =	vst.idx.msk $0xffff, v58  }
.Ltmp4:
0x3a: {  	[tilespmem:v0+s22+$0xFFFFFFF0 ss:$0x1] =	vst.idx.msk $0xffff, v59;
	(pc) =	sbr.rel @p0 .LBB1_4-.Ltmp4, $4  }
0x3b: {  	[tilespmem:v0+s22+$0x0 ss:$0x1] =	vst.idx.msk $0xffff, v60  }
0x3c: {  	[tilespmem:v0+s22+$0x10 ss:$0x1] =	vst.idx.msk $0xffff, v61  }
0x3d: {  	[tilespmem:v0+s22+$0x20 ss:$0x1] =	vst.idx.msk $0xffff, v62  }
0x3e: {  	s18 =	sadd.s32 $0x400, s18;
	s17 =	sadd.s32 $0x80, s17;
	[tilespmem:v0+s22+$0xFFFFFFC0 ss:$0x1] =	vst.idx.msk $0xffff, v63  }
0x3f: {  	s16 =	sadd.s32 $0x1, s16  }
0x40: {  	p0 =	sne.s32 s16, $0x4  }
.Ltmp5:
0x41: {  	_ = 	snop;
	(pc) =	sbr.rel @p0 .LBB1_3-.Ltmp5, $2  }
0x42: {  	_ =	sdelay $0x2  }
0x43: {  	s13 =	sadd.s32 $0x1000, s13;
	s14 =	sadd.s32 $0x1000, s14  }
.Ltmp6:
0x44: {  	(pc) =	sbr.rel .LBB1_9-.Ltmp6, $4  }
0x45: {  	_ = 	snop  }
0x46: {  	s12 =	sshll.u32 s12, $0x9  }
0x47: {  	s12 =	sadd.s32 s4, s12  }
0x48: {  	[hbm4b:s12+s8] =	stream.linear.scatter [tilespmem:s15], [sflag:$0x2], $0x4000, $0x38;
	[tilespmem:$0x10000] =	vst v63  }
.LBB1_10:
0x49: {  	_ =	sfence.sel $0x180000  }
0x4a: {  	s2 =	simm.s32 $0x1;
	[bflag:$0x0] =	sbarrier.arrive $0xFFFF  }
0x4b: {  	s31 =	simm.s32 $0x2;
	[sflag:s2] =	ssyncpa.u1 $0x1  }
0x4c: {  	[sflag:s31] =	ssyncpa.u1 $0x1  }
0x4d: {  	p0 =	sne.s32 s0, $0x0;
	_ =	strace $0x90000047  }
0x4e: {  	s0 =	sadd.s32 @!p0 $0x100000, s1;
	[bflag:$0x2] =	sbarrier.arrive $0xFFFF  }
0x4f: {  	[sflag:s0] =	ssyncadd.tile.s32 @!p0 $0x1;
	_ =	shalt  }
.Lfunc_end1:
_tile_overlayer_lowered:
.L_overlay_start_2:
0x50: {  	(tag) =	ssettag $0x2  }
0x51: {  	s0 =	rddreg [dreg:$0x0];
	s2 =	stileid.u32  }
0x52: {  	s1 =	rddreg [dreg:$0x1];
	p0 =	sne.s32 s2, $0x0  }
0x53: {  	s3 =	rddreg [dreg:$0x2];
	[bflag:$0x3] =	sbarrier.arrive $0xFFFF;
	s2 =	simm.s32 @!p0 $0x1C01  }
0x54: {  	[timem:s3], [sflag:s2] =	dma.local @!p0 [hbm:s0], s1  }
0x55: {  	s0 =	simm.s32 @!p0 $0x1  }
0x56: {  	_ =	swait.ge @!p0 [sflag:s0], s1  }
0x57: {  	s1 =	ssub.s32 @!p0 $0x0, s1;
	[sflag:s0] =	ssyncset.done @!p0 $0x0  }
0x58: {  	[sflag:s0] =	ssyncadd.s32 @!p0 s1  }
0x59: {  	[bflag:$0x3] =	sbarrier.arrive $0xFFFF  }
0x5a: {  	_ =	shalt  }

</sc_bundles>
